<compile_context>
chip_gen: v7x
topology: tpu7x:2x2x1
jax: 0.10.2.dev20260603
libtpu: 0.0.44.dev20260713+nightly
codegen_flags: <defaults>
</compile_context>

<pallas_src>
import functools

import numpy as np

import jax
import jax.numpy as jnp
from jax import lax
from jax.experimental import pallas as pl
from jax.experimental.pallas import tpu as pltpu
from jax.experimental.pallas import tpu_sc as plsc

E_TOTAL = 160000
N_NODES = 10000
E_PAD = 160000
B_TC = 6400
NSLOT = 512

NW = 16
L = 16
CH = E_PAD // NW
VEC = CH // L
NP = 10240
NS = NP // NW

_GAMMA = (0, 2, 0, 2, 1, 3, 1, 3)
_BETA = (0, 0, 2, 2, 1, 3, 3, 1)
_SIGN = (1.0, 1.0, 1.0, 1.0, 1.0, 1.0, 1.0, -1.0)
_WMAP = (0, 1, 2, 3, 4, 4, 5, 5)


def _tc_body(xq_ref, xk_ref, emb_ref, wqe_ref, ek_ref, wp_ref, out_ref):
    q = jnp.dot(wqe_ref[...], xq_ref[...], preferred_element_type=jnp.float32)
    k = jnp.dot(ek_ref[...], xk_ref[...], preferred_element_type=jnp.float32)
    w = jnp.dot(wp_ref[...], emb_ref[...], preferred_element_type=jnp.float32)
    p = q * k * w
    out_ref[...] = jnp.sum(p, axis=0).reshape(1, 1, B_TC)


def _tc_pre(xq, xk, emb, wqe, ek, wp):
    grid = (E_PAD // B_TC,)
    return pl.pallas_call(
        _tc_body,
        grid=grid,
        in_specs=[
            pl.BlockSpec((32, B_TC), lambda i: (0, i)),
            pl.BlockSpec((32, B_TC), lambda i: (0, i)),
            pl.BlockSpec((16, B_TC), lambda i: (0, i)),
            pl.BlockSpec((NSLOT, 32), lambda i: (0, 0)),
            pl.BlockSpec((NSLOT, 32), lambda i: (0, 0)),
            pl.BlockSpec((NSLOT, 16), lambda i: (0, 0)),
        ],
        out_specs=pl.BlockSpec((1, 1, B_TC), lambda i: (i, 0, 0)),
        out_shape=jax.ShapeDtypeStruct((E_PAD // B_TC, 1, B_TC), jnp.float32),
    )(xq, xk, emb, wqe, ek, wp)


def _sc_softmax_body(pre_hbm, idx_hbm, out_hbm, pre_v, idx_v, e_v, mloc,
                     sloc, glob, comb, tmp, xbuf, ibuf, sh_m, sh_g):
    wid = lax.axis_index("s")
    base = wid * CH
    nbase = wid * NS

    pltpu.sync_copy(pre_hbm.at[pl.ds(base, CH)], pre_v)
    pltpu.sync_copy(idx_hbm.at[pl.ds(base, CH)], idx_v)

    neg = jnp.full((L,), -1e30, jnp.float32)
    zero = jnp.zeros((L,), jnp.float32)

    def init_body(i, c):
        mloc[pl.ds(i * L, L)] = neg
        sloc[pl.ds(i * L, L)] = zero
        return c

    lax.fori_loop(0, NP // L, init_body, 0)

    ibuf[pl.ds(0, L)] = jnp.full((L,), -1, jnp.int32)
    ibuf[pl.ds(2 * L, L)] = jnp.full((L,), -2, jnp.int32)

    xbuf[pl.ds(0, L)] = neg

    def max_step(v, c):
        off = v * L
        x = pre_v[pl.ds(off, L)]
        ids = idx_v[pl.ds(off, L)]
        ibuf[pl.ds(L, L)] = ids
        for d in (1, 2, 4, 8):
            xbuf[pl.ds(L, L)] = x
            y = xbuf[pl.ds(L - d, L)]
            pid = ibuf[pl.ds(L - d, L)]
            x = jnp.where(ids == pid, jnp.maximum(x, y), x)
        nid = ibuf[pl.ds(L + 1, L)]
        endm = ids != nid
        old = plsc.load_gather(mloc, [ids])
        plsc.store_scatter(mloc, [ids], jnp.maximum(x, old), mask=endm)
        return c

    lax.fori_loop(0, VEC, max_step, 0)

    pltpu.sync_copy(mloc, sh_m.at[wid])
    plsc.subcore_barrier()
    pltpu.sync_copy(sh_m.at[:, pl.ds(nbase, NS)], comb)

    def red_max(j, c):
        acc = comb[0, pl.ds(j * L, L)]
        for w2 in range(1, NW):
            acc = jnp.maximum(acc, comb[w2, pl.ds(j * L, L)])
        tmp[pl.ds(j * L, L)] = acc
        return c

    lax.fori_loop(0, NS // L, red_max, 0)
    pltpu.sync_copy(tmp, sh_g.at[pl.ds(nbase, NS)])
    plsc.subcore_barrier()
    pltpu.sync_copy(sh_g, glob)

    xbuf[pl.ds(0, L)] = zero

    def sum_step(v, c):
        off = v * L
        p = pre_v[pl.ds(off, L)]
        ids = idx_v[pl.ds(off, L)]
        z = plsc.load_gather(glob, [ids])
        x = jnp.exp(p - z)
        e_v[pl.ds(off, L)] = x
        ibuf[pl.ds(L, L)] = ids
        for d in (1, 2, 4, 8):
            xbuf[pl.ds(L, L)] = x
            y = xbuf[pl.ds(L - d, L)]
            pid = ibuf[pl.ds(L - d, L)]
            x = jnp.where(ids == pid, x + y, x)
        nid = ibuf[pl.ds(L + 1, L)]
        endm = ids != nid
        old = plsc.load_gather(sloc, [ids])
        plsc.store_scatter(sloc, [ids], x + old, mask=endm)
        return c

    lax.fori_loop(0, VEC, sum_step, 0)

    pltpu.sync_copy(sloc, sh_m.at[wid])
    plsc.subcore_barrier()
    pltpu.sync_copy(sh_m.at[:, pl.ds(nbase, NS)], comb)

    def red_sum(j, c):
        acc = comb[0, pl.ds(j * L, L)]
        for w2 in range(1, NW):
            acc = acc + comb[w2, pl.ds(j * L, L)]
        tmp[pl.ds(j * L, L)] = acc
        return c

    lax.fori_loop(0, NS // L, red_sum, 0)
    pltpu.sync_copy(tmp, sh_g.at[pl.ds(nbase, NS)])
    plsc.subcore_barrier()
    pltpu.sync_copy(sh_g, glob)

    def out_step(v, c):
        off = v * L
        e = e_v[pl.ds(off, L)]
        ids = idx_v[pl.ds(off, L)]
        s = plsc.load_gather(glob, [ids])
        e_v[pl.ds(off, L)] = e / (s + 1e-16)
        return c

    lax.fori_loop(0, VEC, out_step, 0)
    pltpu.sync_copy(e_v, out_hbm.at[pl.ds(base, CH)])


def _sc_softmax(pre, idx):
    mesh = plsc.VectorSubcoreMesh(
        core_axis_name="c", subcore_axis_name="s", num_cores=1,
        num_subcores=NW)
    fn = pl.kernel(
        _sc_softmax_body,
        out_type=jax.ShapeDtypeStruct((E_PAD,), jnp.float32),
        mesh=mesh,
        scratch_types=[
            pltpu.VMEM((CH,), jnp.float32),
            pltpu.VMEM((CH,), jnp.int32),
            pltpu.VMEM((CH,), jnp.float32),
            pltpu.VMEM((NP,), jnp.float32),
            pltpu.VMEM((NP,), jnp.float32),
            pltpu.VMEM((NP,), jnp.float32),
            pltpu.VMEM((NW, NS), jnp.float32),
            pltpu.VMEM((NS,), jnp.float32),
            pltpu.VMEM((2 * L,), jnp.float32),
            pltpu.VMEM((3 * L,), jnp.int32),
            pltpu.VMEM_SHARED((NW, NP), jnp.float32),
            pltpu.VMEM_SHARED((NP,), jnp.float32),
        ],
        compiler_params=pltpu.CompilerParams(needs_layout_passes=False),
    )
    return fn(pre, idx)


def _build_consts():
    m = np.zeros((32 * 32, 384), np.float32)

    def put(rb, cb, w, sign):
        for c in range(8):
            for o in range(8):
                m[(rb * 8 + c) * 32 + cb * 8 + o, w * 64 + c * 8 + o] = sign

    put(0, 0, 0, 1.0)
    put(0, 2, 1, 1.0)
    put(1, 1, 4, 1.0)
    put(1, 3, 5, -1.0)
    put(2, 0, 2, 1.0)
    put(2, 2, 3, 1.0)
    put(3, 1, 5, 1.0)
    put(3, 3, 4, 1.0)

    scale = 8.0 ** -0.5
    cq = np.zeros((32, NSLOT), np.float32)
    ekc = np.zeros((32, NSLOT), np.float32)
    cp = np.zeros((384, NSLOT), np.float32)
    for s in range(8):
        for c in range(8):
            for o in range(8):
                col = s * 64 + c * 8 + o
                cq[_GAMMA[s] * 8 + o, col] = _SIGN[s] * scale
                ekc[_BETA[s] * 8 + c, col] = 1.0
                cp[_WMAP[s] * 64 + c * 8 + o, col] = 1.0
    return m, cq, ekc, cp


_M_B, _C_Q, _EK_CONST, _C_P = _build_consts()


def _prepack(Wq, Wprod):
    hi = jax.lax.Precision.HIGHEST
    wbig = jnp.dot(jnp.asarray(_M_B), Wq.reshape(384), precision=hi).reshape(32, 32)
    wqe_t = jnp.dot(wbig, jnp.asarray(_C_Q), precision=hi).T
    ek_t = jnp.asarray(_EK_CONST.T)
    wp_t = jnp.dot(Wprod, jnp.asarray(_C_P), precision=hi).T
    return wqe_t, ek_t, wp_t


def kernel(x_q, x_k, edge_emb, Wq, Wprod, index, num_nodes):
    e = x_q.shape[0]
    xq = x_q.reshape(e, 32).T
    xk = x_k.reshape(e, 32).T
    emb = edge_emb.T
    idx = jnp.minimum(index, num_nodes - 1).astype(jnp.int32)

    wqe, ek, wp = _prepack(Wq, Wprod)
    pre = _tc_pre(xq, xk, emb, wqe, ek, wp)
    out = _sc_softmax(pre.reshape(E_PAD), idx)
    return out.reshape(e, 1)

# --- scband reference (transcript-rebuilt; emitter-appended) ---
"""Pipeline reference for scband-se3-tr-attention-5231270166739 (READ-ONLY COPY).

The authoritative reference and input builder live on the scoring server;
editing this copy changes nothing except your own understanding.
"""

import jax, jax.numpy as jnp
import numpy as np

E = 160000
N_NODES = 10000
C_IN = 8
K_CH = 8
H = 1
D_EDGE = 16
NUM_W = 6  # SO2Linear(L_in=[0,1], L_out=[0,1]) weight count: (0,0):1 (0,1):1 (1,0):1 (1,1):1+2
C_OUT = H * K_CH


def so2_linear(x, w, per_edge):
    # x: [E, 4, Cin] with order layout [(0,0),(1,-1),(1,0),(1,+1)]
    # w: [NUM_W, Cin, Cout] (shared) or [E, NUM_W, Cin, Cout] (per-edge)
    if per_edge:
        mm = lambda xi, wi: jnp.einsum('ec,eco->eo', xi, wi)
        W = lambda i: w[:, i]
    else:
        mm = lambda xi, wi: jnp.einsum('ec,co->eo', xi, wi)
        W = lambda i: w[i]
    # m = 0 paths
    y0 = mm(x[:, 0], W(0)) + mm(x[:, 2], W(2))          # l_out=0
    y2 = mm(x[:, 0], W(1)) + mm(x[:, 2], W(3))          # l_out=1, m=0
    # m = 1 paths (SO(2) complex-style mixing of +m/-m)
    y3 = mm(x[:, 3], W(4)) - mm(x[:, 1], W(5))          # l_out=1, m=+1
    y1 = mm(x[:, 1], W(4)) + mm(x[:, 3], W(5))          # l_out=1, m=-1
    return jnp.stack([y0, y1, y2, y3], axis=1)


def setup_inputs(seed: int = 0) -> dict:
    key = jax.random.key(seed)
    k1, k2, k3, k4, k5, k6 = jax.random.split(key, 6)
    x_q = jax.random.normal(k1, (E, 4, C_IN), dtype=jnp.float32)
    x_k = jax.random.normal(k2, (E, 4, C_IN), dtype=jnp.float32)
    edge_emb = jax.random.normal(k3, (E, D_EDGE), dtype=jnp.float32)
    index = jnp.sort(jax.random.randint(k4, (E,), 0, N_NODES)).astype(jnp.int64)
    # learned params
    Wq = jax.random.normal(k5, (NUM_W, C_IN, C_OUT), dtype=jnp.float32) * (C_IN ** -0.5)
    Wprod = jax.random.normal(k6, (D_EDGE, NUM_W * C_IN * C_OUT), dtype=jnp.float32) * 0.1
    return {"x_q": x_q, "x_k": x_k, "edge_emb": edge_emb, "Wq": Wq, "Wprod": Wprod, "index": index, "num_nodes": N_NODES}


def reference(x_q, x_k, edge_emb, Wq, Wprod, index, num_nodes):
    # q_ij = SO2Linear_Q(x_i)
    q = so2_linear(x_q, Wq, per_edge=False)                        # [E, 4, H*Kc]
    # k_ij = SO2Linear_K(||r_ij||)(x_j): per-edge weights from edge embedding
    wk = (edge_emb @ Wprod).reshape(-1, NUM_W, C_IN, C_OUT)        # [E, NUM_W, Cin, Cout]
    k = so2_linear(x_k, wk, per_edge=True)                         # [E, 4, H*Kc]
    q = q.reshape(-1, 4, H, K_CH)
    k = k.reshape(-1, 4, H, K_CH)
    scale = float(K_CH // H) ** (-0.5)
    pre_softmax = (q * k).sum(axis=(-1, -3)) * scale               # [E, H]
    # segment softmax over incoming edges of each dst node
    index = jnp.minimum(index, num_nodes - 1)
    zmax = jax.ops.segment_max(pre_softmax, index, num_segments=N_NODES)
    zmax = jnp.where(jnp.isfinite(zmax), zmax, 0.0)
    e = jnp.exp(pre_softmax - zmax[index])
    s = jax.ops.segment_sum(e, index, num_segments=N_NODES)
    return e / (s[index] + 1e-16)

if __name__ == "__main__":
    import jax
    _d = setup_inputs()
    print(jax.jit(kernel)(*tuple(_d.values())))

</pallas_src>

<mosaic_0001>
#map = affine_map<(d0, d1) -> (0)>
module attributes {stable_mosaic.version = 14 : i64} {
  func.func @_sc_softmax_body(%arg0: i32, %arg1: i32, %arg2: memref<160000xf32, #tpu.memory_space<hbm>>, %arg3: memref<160000xi32, #tpu.memory_space<hbm>>, %arg4: memref<160000xf32, #tpu.memory_space<hbm>>, %arg5: memref<10000xf32, #tpu.memory_space<vmem>>, %arg6: memref<10000xi32, #tpu.memory_space<vmem>>, %arg7: memref<10000xf32, #tpu.memory_space<vmem>>, %arg8: memref<10240xf32, #tpu.memory_space<vmem>>, %arg9: memref<10240xf32, #tpu.memory_space<vmem>>, %arg10: memref<10240xf32, #tpu.memory_space<vmem>>, %arg11: memref<16x640xf32, #tpu.memory_space<vmem>>, %arg12: memref<640xf32, #tpu.memory_space<vmem>>, %arg13: memref<32xf32, #tpu.memory_space<vmem>>, %arg14: memref<48xi32, #tpu.memory_space<vmem>>, %arg15: memref<16x10240xf32, #tpu.memory_space<vmem_shared>>, %arg16: memref<10240xf32, #tpu.memory_space<vmem_shared>>) attributes {dimension_semantics = [#tpu.dimension_semantics<core_parallel>, #tpu.dimension_semantics<subcore_parallel>], iteration_bounds = array<i64: 1, 16>, scalar_prefetch = 0 : i64, scratch_operands = 12 : i64, tpu.core_type = #tpu.core_type<sc_vector_subcore>, window_params = [{transform_indices = #map}, {transform_indices = #map}, {transform_indices = #map}]} {
    %mul3A = arith.constant 10000 : i32
    %mul3A_0 = arith.muli %arg1, %mul3A : i32
    %mul3A_1 = arith.constant 640 : i32
    %mul3A_2 = arith.muli %arg1, %mul3A_1 : i32
    "tpu.region"() ({
      %run_scoped3A = tpu.sem_alloc : memref<!tpu.dma_semaphore, #tpu.memory_space<semaphore_mem>>
      %dma_start3A = tpu.memref_slice %arg2[%mul3A_0] : memref<160000xf32, #tpu.memory_space<hbm>> -> memref<10000xf32, #tpu.memory_space<hbm>>
      %dma_start3A_55 = tpu.memref_slice %arg2[%mul3A_0] : memref<160000xf32, #tpu.memory_space<hbm>> -> memref<10000xf32, #tpu.memory_space<hbm>>
      tpu.enqueue_dma source(%dma_start3A_55 : memref<10000xf32, #tpu.memory_space<hbm>>) target(%arg5 : memref<10000xf32, #tpu.memory_space<vmem>>) target_semaphore(%run_scoped3A : memref<!tpu.dma_semaphore, #tpu.memory_space<semaphore_mem>>)
      %dma_wait3A = tpu.memref_slice %arg2[%mul3A_0] : memref<160000xf32, #tpu.memory_space<hbm>> -> memref<10000xf32, #tpu.memory_space<hbm>>
      %dma_wait3A_56 = tpu.memref_slice %arg2[%mul3A_0] : memref<160000xf32, #tpu.memory_space<hbm>> -> memref<10000xf32, #tpu.memory_space<hbm>>
      tpu.wait_dma2 semaphore(%run_scoped3A : memref<!tpu.dma_semaphore, #tpu.memory_space<semaphore_mem>>) src(%dma_wait3A_56 : memref<10000xf32, #tpu.memory_space<hbm>>) dst(%arg5 : memref<10000xf32, #tpu.memory_space<vmem>>)
      tpu.yield
    }) : () -> ()
    "tpu.region"() ({
      %run_scoped3A = tpu.sem_alloc : memref<!tpu.dma_semaphore, #tpu.memory_space<semaphore_mem>>
      %dma_start3A = tpu.memref_slice %arg3[%mul3A_0] : memref<160000xi32, #tpu.memory_space<hbm>> -> memref<10000xi32, #tpu.memory_space<hbm>>
      %dma_start3A_55 = tpu.memref_slice %arg3[%mul3A_0] : memref<160000xi32, #tpu.memory_space<hbm>> -> memref<10000xi32, #tpu.memory_space<hbm>>
      tpu.enqueue_dma source(%dma_start3A_55 : memref<10000xi32, #tpu.memory_space<hbm>>) target(%arg6 : memref<10000xi32, #tpu.memory_space<vmem>>) target_semaphore(%run_scoped3A : memref<!tpu.dma_semaphore, #tpu.memory_space<semaphore_mem>>)
      %dma_wait3A = tpu.memref_slice %arg3[%mul3A_0] : memref<160000xi32, #tpu.memory_space<hbm>> -> memref<10000xi32, #tpu.memory_space<hbm>>
      %dma_wait3A_56 = tpu.memref_slice %arg3[%mul3A_0] : memref<160000xi32, #tpu.memory_space<hbm>> -> memref<10000xi32, #tpu.memory_space<hbm>>
      tpu.wait_dma2 semaphore(%run_scoped3A : memref<!tpu.dma_semaphore, #tpu.memory_space<semaphore_mem>>) src(%dma_wait3A_56 : memref<10000xi32, #tpu.memory_space<hbm>>) dst(%arg6 : memref<10000xi32, #tpu.memory_space<vmem>>)
      tpu.yield
    }) : () -> ()
    %broadcast_in_dim3A = arith.constant -1.000000e+30 : f32
    %broadcast_in_dim3A_3 = vector.broadcast %broadcast_in_dim3A : f32 to vector<16xf32>
    %broadcast_in_dim3A_4 = arith.constant 0.000000e+00 : f32
    %broadcast_in_dim3A_5 = vector.broadcast %broadcast_in_dim3A_4 : f32 to vector<16xf32>
    %scan3A = arith.constant 0 : i32
    %scan3A_6 = arith.constant 0 : i32
    %scan3A_7 = arith.constant 640 : i32
    %scan3A_8 = arith.addi %scan3A_6, %scan3A_7 : i32
    %scan3A_9 = arith.constant 1 : i32
    scf.for %scan3A_55 = %scan3A_6 to %scan3A_8 step %scan3A_9  : i32 {
      %mul3A_56 = arith.constant 16 : i32
      %mul3A_57 = arith.muli %scan3A_55, %mul3A_56 : i32
      %swap3A_58 = arith.index_cast %mul3A_57 : i32 to index
      %swap3A_59 = tpu.vector_load %arg8[%swap3A_58] {strides = array<i32>} : memref<10240xf32, #tpu.memory_space<vmem>>, vector<16xf32>,
      tpu.vector_store %arg8[%swap3A_58], %broadcast_in_dim3A_3 {strides = array<i32>} : memref<10240xf32, #tpu.memory_space<vmem>>, vector<16xf32>,
      %mul3A_60 = arith.constant 16 : i32
      %mul3A_61 = arith.muli %scan3A_55, %mul3A_60 : i32
      %swap3A_62 = arith.index_cast %mul3A_61 : i32 to index
      %swap3A_63 = tpu.vector_load %arg9[%swap3A_62] {strides = array<i32>} : memref<10240xf32, #tpu.memory_space<vmem>>, vector<16xf32>,
      tpu.vector_store %arg9[%swap3A_62], %broadcast_in_dim3A_5 {strides = array<i32>} : memref<10240xf32, #tpu.memory_space<vmem>>, vector<16xf32>,
    }
    %scan3A_10 = arith.constant 640 : i32
    %broadcast_in_dim3A_11 = arith.constant -1 : i32
    %broadcast_in_dim3A_12 = vector.broadcast %broadcast_in_dim3A_11 : i32 to vector<16xi32>
    %swap3A = arith.constant 0 : index
    %swap3A_13 = tpu.vector_load %arg14[%swap3A] {strides = array<i32>} : memref<48xi32, #tpu.memory_space<vmem>>, vector<16xi32>,
    tpu.vector_store %arg14[%swap3A], %broadcast_in_dim3A_12 {strides = array<i32>} : memref<48xi32, #tpu.memory_space<vmem>>, vector<16xi32>,
    %broadcast_in_dim3A_14 = arith.constant -2 : i32
    %broadcast_in_dim3A_15 = vector.broadcast %broadcast_in_dim3A_14 : i32 to vector<16xi32>
    %swap3A_16 = arith.constant 32 : index
    %swap3A_17 = tpu.vector_load %arg14[%swap3A_16] {strides = array<i32>} : memref<48xi32, #tpu.memory_space<vmem>>, vector<16xi32>,
    tpu.vector_store %arg14[%swap3A_16], %broadcast_in_dim3A_15 {strides = array<i32>} : memref<48xi32, #tpu.memory_space<vmem>>, vector<16xi32>,
    %swap3A_18 = arith.constant 0 : index
    %swap3A_19 = tpu.vector_load %arg13[%swap3A_18] {strides = array<i32>} : memref<32xf32, #tpu.memory_space<vmem>>, vector<16xf32>,
    tpu.vector_store %arg13[%swap3A_18], %broadcast_in_dim3A_3 {strides = array<i32>} : memref<32xf32, #tpu.memory_space<vmem>>, vector<16xf32>,
    %scan3A_20 = arith.constant 0 : i32
    %scan3A_21 = arith.constant 0 : i32
    %scan3A_22 = arith.constant 625 : i32
    %scan3A_23 = arith.addi %scan3A_21, %scan3A_22 : i32
    %scan3A_24 = arith.constant 1 : i32
    scf.for %scan3A_55 = %scan3A_21 to %scan3A_23 step %scan3A_24  : i32 {
      %mul3A_56 = arith.constant 16 : i32
      %mul3A_57 = arith.muli %scan3A_55, %mul3A_56 : i32
      %get3A = arith.index_cast %mul3A_57 : i32 to index
      %get3A_58 = tpu.vector_load %arg5[%get3A] {strides = array<i32>} : memref<10000xf32, #tpu.memory_space<vmem>>, vector<16xf32>,
      %get3A_59 = arith.index_cast %mul3A_57 : i32 to index
      %get3A_60 = tpu.vector_load %arg6[%get3A_59] {strides = array<i32>} : memref<10000xi32, #tpu.memory_space<vmem>>, vector<16xi32>,
      %swap3A_61 = arith.constant 16 : index
      %swap3A_62 = tpu.vector_load %arg14[%swap3A_61] {strides = array<i32>} : memref<48xi32, #tpu.memory_space<vmem>>, vector<16xi32>,
      tpu.vector_store %arg14[%swap3A_61], %get3A_60 {strides = array<i32>} : memref<48xi32, #tpu.memory_space<vmem>>, vector<16xi32>,
      %swap3A_63 = arith.constant 16 : index
      %swap3A_64 = tpu.vector_load %arg13[%swap3A_63] {strides = array<i32>} : memref<32xf32, #tpu.memory_space<vmem>>, vector<16xf32>,
      tpu.vector_store %arg13[%swap3A_63], %get3A_58 {strides = array<i32>} : memref<32xf32, #tpu.memory_space<vmem>>, vector<16xf32>,
      %get3A_65 = arith.constant 15 : index
      %get3A_66 = tpu.vector_load %arg13[%get3A_65] {strides = array<i32>} : memref<32xf32, #tpu.memory_space<vmem>>, vector<16xf32>,
      %get3A_67 = arith.constant 15 : index
      %get3A_68 = tpu.vector_load %arg14[%get3A_67] {strides = array<i32>} : memref<48xi32, #tpu.memory_space<vmem>>, vector<16xi32>,
      %eq3A = arith.cmpi eq, %get3A_60, %get3A_68 : vector<16xi32>
      %max3A = arith.maximumf %get3A_58, %get3A_66 : vector<16xf32>
      %select_n3A = arith.select %eq3A, %max3A, %get3A_58 : vector<16xi1>, vector<16xf32>
      %swap3A_69 = arith.constant 16 : index
      %swap3A_70 = tpu.vector_load %arg13[%swap3A_69] {strides = array<i32>} : memref<32xf32, #tpu.memory_space<vmem>>, vector<16xf32>,
      tpu.vector_store %arg13[%swap3A_69], %select_n3A {strides = array<i32>} : memref<32xf32, #tpu.memory_space<vmem>>, vector<16xf32>,
      %get3A_71 = arith.constant 14 : index
      %get3A_72 = tpu.vector_load %arg13[%get3A_71] {strides = array<i32>} : memref<32xf32, #tpu.memory_space<vmem>>, vector<16xf32>,
      %get3A_73 = arith.constant 14 : index
      %get3A_74 = tpu.vector_load %arg14[%get3A_73] {strides = array<i32>} : memref<48xi32, #tpu.memory_space<vmem>>, vector<16xi32>,
      %eq3A_75 = arith.cmpi eq, %get3A_60, %get3A_74 : vector<16xi32>
      %max3A_76 = arith.maximumf %select_n3A, %get3A_72 : vector<16xf32>
      %select_n3A_77 = arith.select %eq3A_75, %max3A_76, %select_n3A : vector<16xi1>, vector<16xf32>
      %swap3A_78 = arith.constant 16 : index
      %swap3A_79 = tpu.vector_load %arg13[%swap3A_78] {strides = array<i32>} : memref<32xf32, #tpu.memory_space<vmem>>, vector<16xf32>,
      tpu.vector_store %arg13[%swap3A_78], %select_n3A_77 {strides = array<i32>} : memref<32xf32, #tpu.memory_space<vmem>>, vector<16xf32>,
      %get3A_80 = arith.constant 12 : index
      %get3A_81 = tpu.vector_load %arg13[%get3A_80] {strides = array<i32>} : memref<32xf32, #tpu.memory_space<vmem>>, vector<16xf32>,
      %get3A_82 = arith.constant 12 : index
      %get3A_83 = tpu.vector_load %arg14[%get3A_82] {strides = array<i32>} : memref<48xi32, #tpu.memory_space<vmem>>, vector<16xi32>,
      %eq3A_84 = arith.cmpi eq, %get3A_60, %get3A_83 : vector<16xi32>
      %max3A_85 = arith.maximumf %select_n3A_77, %get3A_81 : vector<16xf32>
      %select_n3A_86 = arith.select %eq3A_84, %max3A_85, %select_n3A_77 : vector<16xi1>, vector<16xf32>
      %swap3A_87 = arith.constant 16 : index
      %swap3A_88 = tpu.vector_load %arg13[%swap3A_87] {strides = array<i32>} : memref<32xf32, #tpu.memory_space<vmem>>, vector<16xf32>,
      tpu.vector_store %arg13[%swap3A_87], %select_n3A_86 {strides = array<i32>} : memref<32xf32, #tpu.memory_space<vmem>>, vector<16xf32>,
      %get3A_89 = arith.constant 8 : index
      %get3A_90 = tpu.vector_load %arg13[%get3A_89] {strides = array<i32>} : memref<32xf32, #tpu.memory_space<vmem>>, vector<16xf32>,
      %get3A_91 = arith.constant 8 : index
      %get3A_92 = tpu.vector_load %arg14[%get3A_91] {strides = array<i32>} : memref<48xi32, #tpu.memory_space<vmem>>, vector<16xi32>,
      %eq3A_93 = arith.cmpi eq, %get3A_60, %get3A_92 : vector<16xi32>
      %max3A_94 = arith.maximumf %select_n3A_86, %get3A_90 : vector<16xf32>
      %select_n3A_95 = arith.select %eq3A_93, %max3A_94, %select_n3A_86 : vector<16xi1>, vector<16xf32>
      %get3A_96 = arith.constant 17 : index
      %get3A_97 = tpu.vector_load %arg14[%get3A_96] {strides = array<i32>} : memref<48xi32, #tpu.memory_space<vmem>>, vector<16xi32>,
      %ne3A = arith.cmpi ne, %get3A_60, %get3A_97 : vector<16xi32>
      %gather3A = tpu.vector_load_idx %arg8[%get3A_60] : memref<10240xf32, #tpu.memory_space<vmem>>[vector<16xi32>], vector<16xf32>,
      %max3A_98 = arith.maximumf %select_n3A_95, %gather3A : vector<16xf32>
      tpu.vector_store_idx %arg8[%get3A_60], %max3A_98 masked %ne3A : memref<10240xf32, #tpu.memory_space<vmem>>[vector<16xi32>], vector<16xf32>, vector<16xi1>
    }
    %scan3A_25 = arith.constant 625 : i32
    "tpu.region"() ({
      %run_scoped3A = tpu.sem_alloc : memref<!tpu.dma_semaphore, #tpu.memory_space<semaphore_mem>>
      %dma_start3A = arith.constant 0 : i32
      %dma_start3A_55 = tpu.memref_slice %arg15[%arg1, %dma_start3A] : memref<16x10240xf32, #tpu.memory_space<vmem_shared>> -> memref<1x10240xf32, #tpu.memory_space<vmem_shared>>
      %dma_start3A_56 = tpu.memref_squeeze %dma_start3A_55 : memref<1x10240xf32, #tpu.memory_space<vmem_shared>> -> memref<10240xf32, #tpu.memory_space<vmem_shared>>
      %dma_start3A_57 = arith.constant 0 : i32
      %dma_start3A_58 = tpu.memref_slice %arg15[%arg1, %dma_start3A_57] : memref<16x10240xf32, #tpu.memory_space<vmem_shared>> -> memref<1x10240xf32, #tpu.memory_space<vmem_shared>>
      %dma_start3A_59 = tpu.memref_squeeze %dma_start3A_58 : memref<1x10240xf32, #tpu.memory_space<vmem_shared>> -> memref<10240xf32, #tpu.memory_space<vmem_shared>>
      tpu.enqueue_dma source(%arg8 : memref<10240xf32, #tpu.memory_space<vmem>>) target(%dma_start3A_59 : memref<10240xf32, #tpu.memory_space<vmem_shared>>) target_semaphore(%run_scoped3A : memref<!tpu.dma_semaphore, #tpu.memory_space<semaphore_mem>>)
      %dma_wait3A = arith.constant 0 : i32
      %dma_wait3A_60 = tpu.memref_slice %arg15[%arg1, %dma_wait3A] : memref<16x10240xf32, #tpu.memory_space<vmem_shared>> -> memref<1x10240xf32, #tpu.memory_space<vmem_shared>>
      %dma_wait3A_61 = tpu.memref_squeeze %dma_wait3A_60 : memref<1x10240xf32, #tpu.memory_space<vmem_shared>> -> memref<10240xf32, #tpu.memory_space<vmem_shared>>
      %dma_wait3A_62 = arith.constant 0 : i32
      %dma_wait3A_63 = tpu.memref_slice %arg15[%arg1, %dma_wait3A_62] : memref<16x10240xf32, #tpu.memory_space<vmem_shared>> -> memref<1x10240xf32, #tpu.memory_space<vmem_shared>>
      %dma_wait3A_64 = tpu.memref_squeeze %dma_wait3A_63 : memref<1x10240xf32, #tpu.memory_space<vmem_shared>> -> memref<10240xf32, #tpu.memory_space<vmem_shared>>
      tpu.wait_dma2 semaphore(%run_scoped3A : memref<!tpu.dma_semaphore, #tpu.memory_space<semaphore_mem>>) src(%arg8 : memref<10240xf32, #tpu.memory_space<vmem>>) dst(%dma_wait3A_64 : memref<10240xf32, #tpu.memory_space<vmem_shared>>)
      tpu.yield
    }) : () -> ()
    %barrier3A = arith.constant 0 : index
    tpu.barrier barrier_id(%barrier3A)
    "tpu.region"() ({
      %run_scoped3A = tpu.sem_alloc : memref<!tpu.dma_semaphore, #tpu.memory_space<semaphore_mem>>
      %dma_start3A = arith.constant 0 : i32
      %dma_start3A_55 = tpu.memref_slice %arg15[%dma_start3A, %mul3A_2] : memref<16x10240xf32, #tpu.memory_space<vmem_shared>> -> memref<16x640xf32, #tpu.memory_space<vmem_shared>>
      %dma_start3A_56 = arith.constant 0 : i32
      %dma_start3A_57 = tpu.memref_slice %arg15[%dma_start3A_56, %mul3A_2] : memref<16x10240xf32, #tpu.memory_space<vmem_shared>> -> memref<16x640xf32, #tpu.memory_space<vmem_shared>>
      tpu.enqueue_dma source(%dma_start3A_57 : memref<16x640xf32, #tpu.memory_space<vmem_shared>>) target(%arg11 : memref<16x640xf32, #tpu.memory_space<vmem>>) target_semaphore(%run_scoped3A : memref<!tpu.dma_semaphore, #tpu.memory_space<semaphore_mem>>)
      %dma_wait3A = arith.constant 0 : i32
      %dma_wait3A_58 = tpu.memref_slice %arg15[%dma_wait3A, %mul3A_2] : memref<16x10240xf32, #tpu.memory_space<vmem_shared>> -> memref<16x640xf32, #tpu.memory_space<vmem_shared>>
      %dma_wait3A_59 = arith.constant 0 : i32
      %dma_wait3A_60 = tpu.memref_slice %arg15[%dma_wait3A_59, %mul3A_2] : memref<16x10240xf32, #tpu.memory_space<vmem_shared>> -> memref<16x640xf32, #tpu.memory_space<vmem_shared>>
      tpu.wait_dma2 semaphore(%run_scoped3A : memref<!tpu.dma_semaphore, #tpu.memory_space<semaphore_mem>>) src(%dma_wait3A_60 : memref<16x640xf32, #tpu.memory_space<vmem_shared>>) dst(%arg11 : memref<16x640xf32, #tpu.memory_space<vmem>>)
      tpu.yield
    }) : () -> ()
    %scan3A_26 = arith.constant 0 : i32
    %scan3A_27 = arith.constant 0 : i32
    %scan3A_28 = arith.constant 40 : i32
    %scan3A_29 = arith.addi %scan3A_27, %scan3A_28 : i32
    %scan3A_30 = arith.constant 1 : i32
    scf.for %scan3A_55 = %scan3A_27 to %scan3A_29 step %scan3A_30  : i32 {
      %mul3A_56 = arith.constant 16 : i32
      %mul3A_57 = arith.muli %scan3A_55, %mul3A_56 : i32
      %get3A = arith.constant 0 : i32
      %get3A_58 = arith.index_cast %get3A : i32 to index
      %get3A_59 = arith.index_cast %mul3A_57 : i32 to index
      %get3A_60 = tpu.vector_load %arg11[%get3A_58, %get3A_59] {strides = array<i32>} : memref<16x640xf32, #tpu.memory_space<vmem>>, vector<16xf32>,
      %mul3A_61 = arith.constant 16 : i32
      %mul3A_62 = arith.muli %scan3A_55, %mul3A_61 : i32
      %get3A_63 = arith.constant 1 : i32
      %get3A_64 = arith.index_cast %get3A_63 : i32 to index
      %get3A_65 = arith.index_cast %mul3A_62 : i32 to index
      %get3A_66 = tpu.vector_load %arg11[%get3A_64, %get3A_65] {strides = array<i32>} : memref<16x640xf32, #tpu.memory_space<vmem>>, vector<16xf32>,
      %max3A = arith.maximumf %get3A_60, %get3A_66 : vector<16xf32>
      %mul3A_67 = arith.constant 16 : i32
      %mul3A_68 = arith.muli %scan3A_55, %mul3A_67 : i32
      %get3A_69 = arith.constant 2 : i32
      %get3A_70 = arith.index_cast %get3A_69 : i32 to index
      %get3A_71 = arith.index_cast %mul3A_68 : i32 to index
      %get3A_72 = tpu.vector_load %arg11[%get3A_70, %get3A_71] {strides = array<i32>} : memref<16x640xf32, #tpu.memory_space<vmem>>, vector<16xf32>,
      %max3A_73 = arith.maximumf %max3A, %get3A_72 : vector<16xf32>
      %mul3A_74 = arith.constant 16 : i32
      %mul3A_75 = arith.muli %scan3A_55, %mul3A_74 : i32
      %get3A_76 = arith.constant 3 : i32
      %get3A_77 = arith.index_cast %get3A_76 : i32 to index
      %get3A_78 = arith.index_cast %mul3A_75 : i32 to index
      %get3A_79 = tpu.vector_load %arg11[%get3A_77, %get3A_78] {strides = array<i32>} : memref<16x640xf32, #tpu.memory_space<vmem>>, vector<16xf32>,
      %max3A_80 = arith.maximumf %max3A_73, %get3A_79 : vector<16xf32>
      %mul3A_81 = arith.constant 16 : i32
      %mul3A_82 = arith.muli %scan3A_55, %mul3A_81 : i32
      %get3A_83 = arith.constant 4 : i32
      %get3A_84 = arith.index_cast %get3A_83 : i32 to index
      %get3A_85 = arith.index_cast %mul3A_82 : i32 to index
      %get3A_86 = tpu.vector_load %arg11[%get3A_84, %get3A_85] {strides = array<i32>} : memref<16x640xf32, #tpu.memory_space<vmem>>, vector<16xf32>,
      %max3A_87 = arith.maximumf %max3A_80, %get3A_86 : vector<16xf32>
      %mul3A_88 = arith.constant 16 : i32
      %mul3A_89 = arith.muli %scan3A_55, %mul3A_88 : i32
      %get3A_90 = arith.constant 5 : i32
      %get3A_91 = arith.index_cast %get3A_90 : i32 to index
      %get3A_92 = arith.index_cast %mul3A_89 : i32 to index
      %get3A_93 = tpu.vector_load %arg11[%get3A_91, %get3A_92] {strides = array<i32>} : memref<16x640xf32, #tpu.memory_space<vmem>>, vector<16xf32>,
      %max3A_94 = arith.maximumf %max3A_87, %get3A_93 : vector<16xf32>
      %mul3A_95 = arith.constant 16 : i32
      %mul3A_96 = arith.muli %scan3A_55, %mul3A_95 : i32
      %get3A_97 = arith.constant 6 : i32
      %get3A_98 = arith.index_cast %get3A_97 : i32 to index
      %get3A_99 = arith.index_cast %mul3A_96 : i32 to index
      %get3A_100 = tpu.vector_load %arg11[%get3A_98, %get3A_99] {strides = array<i32>} : memref<16x640xf32, #tpu.memory_space<vmem>>, vector<16xf32>,
      %max3A_101 = arith.maximumf %max3A_94, %get3A_100 : vector<16xf32>
      %mul3A_102 = arith.constant 16 : i32
      %mul3A_103 = arith.muli %scan3A_55, %mul3A_102 : i32
      %get3A_104 = arith.constant 7 : i32
      %get3A_105 = arith.index_cast %get3A_104 : i32 to index
      %get3A_106 = arith.index_cast %mul3A_103 : i32 to index
      %get3A_107 = tpu.vector_load %arg11[%get3A_105, %get3A_106] {strides = array<i32>} : memref<16x640xf32, #tpu.memory_space<vmem>>, vector<16xf32>,
      %max3A_108 = arith.maximumf %max3A_101, %get3A_107 : vector<16xf32>
      %mul3A_109 = arith.constant 16 : i32
      %mul3A_110 = arith.muli %scan3A_55, %mul3A_109 : i32
      %get3A_111 = arith.constant 8 : i32
      %get3A_112 = arith.index_cast %get3A_111 : i32 to index
      %get3A_113 = arith.index_cast %mul3A_110 : i32 to index
      %get3A_114 = tpu.vector_load %arg11[%get3A_112, %get3A_113] {strides = array<i32>} : memref<16x640xf32, #tpu.memory_space<vmem>>, vector<16xf32>,
      %max3A_115 = arith.maximumf %max3A_108, %get3A_114 : vector<16xf32>
      %mul3A_116 = arith.constant 16 : i32
      %mul3A_117 = arith.muli %scan3A_55, %mul3A_116 : i32
      %get3A_118 = arith.constant 9 : i32
      %get3A_119 = arith.index_cast %get3A_118 : i32 to index
      %get3A_120 = arith.index_cast %mul3A_117 : i32 to index
      %get3A_121 = tpu.vector_load %arg11[%get3A_119, %get3A_120] {strides = array<i32>} : memref<16x640xf32, #tpu.memory_space<vmem>>, vector<16xf32>,
      %max3A_122 = arith.maximumf %max3A_115, %get3A_121 : vector<16xf32>
      %mul3A_123 = arith.constant 16 : i32
      %mul3A_124 = arith.muli %scan3A_55, %mul3A_123 : i32
      %get3A_125 = arith.constant 10 : i32
      %get3A_126 = arith.index_cast %get3A_125 : i32 to index
      %get3A_127 = arith.index_cast %mul3A_124 : i32 to index
      %get3A_128 = tpu.vector_load %arg11[%get3A_126, %get3A_127] {strides = array<i32>} : memref<16x640xf32, #tpu.memory_space<vmem>>, vector<16xf32>,
      %max3A_129 = arith.maximumf %max3A_122, %get3A_128 : vector<16xf32>
      %mul3A_130 = arith.constant 16 : i32
      %mul3A_131 = arith.muli %scan3A_55, %mul3A_130 : i32
      %get3A_132 = arith.constant 11 : i32
      %get3A_133 = arith.index_cast %get3A_132 : i32 to index
      %get3A_134 = arith.index_cast %mul3A_131 : i32 to index
      %get3A_135 = tpu.vector_load %arg11[%get3A_133, %get3A_134] {strides = array<i32>} : memref<16x640xf32, #tpu.memory_space<vmem>>, vector<16xf32>,
      %max3A_136 = arith.maximumf %max3A_129, %get3A_135 : vector<16xf32>
      %mul3A_137 = arith.constant 16 : i32
      %mul3A_138 = arith.muli %scan3A_55, %mul3A_137 : i32
      %get3A_139 = arith.constant 12 : i32
      %get3A_140 = arith.index_cast %get3A_139 : i32 to index
      %get3A_141 = arith.index_cast %mul3A_138 : i32 to index
      %get3A_142 = tpu.vector_load %arg11[%get3A_140, %get3A_141] {strides = array<i32>} : memref<16x640xf32, #tpu.memory_space<vmem>>, vector<16xf32>,
      %max3A_143 = arith.maximumf %max3A_136, %get3A_142 : vector<16xf32>
      %mul3A_144 = arith.constant 16 : i32
      %mul3A_145 = arith.muli %scan3A_55, %mul3A_144 : i32
      %get3A_146 = arith.constant 13 : i32
      %get3A_147 = arith.index_cast %get3A_146 : i32 to index
      %get3A_148 = arith.index_cast %mul3A_145 : i32 to index
      %get3A_149 = tpu.vector_load %arg11[%get3A_147, %get3A_148] {strides = array<i32>} : memref<16x640xf32, #tpu.memory_space<vmem>>, vector<16xf32>,
      %max3A_150 = arith.maximumf %max3A_143, %get3A_149 : vector<16xf32>
      %mul3A_151 = arith.constant 16 : i32
      %mul3A_152 = arith.muli %scan3A_55, %mul3A_151 : i32
      %get3A_153 = arith.constant 14 : i32
      %get3A_154 = arith.index_cast %get3A_153 : i32 to index
      %get3A_155 = arith.index_cast %mul3A_152 : i32 to index
      %get3A_156 = tpu.vector_load %arg11[%get3A_154, %get3A_155] {strides = array<i32>} : memref<16x640xf32, #tpu.memory_space<vmem>>, vector<16xf32>,
      %max3A_157 = arith.maximumf %max3A_150, %get3A_156 : vector<16xf32>
      %mul3A_158 = arith.constant 16 : i32
      %mul3A_159 = arith.muli %scan3A_55, %mul3A_158 : i32
      %get3A_160 = arith.constant 15 : i32
      %get3A_161 = arith.index_cast %get3A_160 : i32 to index
      %get3A_162 = arith.index_cast %mul3A_159 : i32 to index
      %get3A_163 = tpu.vector_load %arg11[%get3A_161, %get3A_162] {strides = array<i32>} : memref<16x640xf32, #tpu.memory_space<vmem>>, vector<16xf32>,
      %max3A_164 = arith.maximumf %max3A_157, %get3A_163 : vector<16xf32>
      %mul3A_165 = arith.constant 16 : i32
      %mul3A_166 = arith.muli %scan3A_55, %mul3A_165 : i32
      %swap3A_167 = arith.index_cast %mul3A_166 : i32 to index
      %swap3A_168 = tpu.vector_load %arg12[%swap3A_167] {strides = array<i32>} : memref<640xf32, #tpu.memory_space<vmem>>, vector<16xf32>,
      tpu.vector_store %arg12[%swap3A_167], %max3A_164 {strides = array<i32>} : memref<640xf32, #tpu.memory_space<vmem>>, vector<16xf32>,
    }
    %scan3A_31 = arith.constant 40 : i32
    "tpu.region"() ({
      %run_scoped3A = tpu.sem_alloc : memref<!tpu.dma_semaphore, #tpu.memory_space<semaphore_mem>>
      %dma_start3A = tpu.memref_slice %arg16[%mul3A_2] : memref<10240xf32, #tpu.memory_space<vmem_shared>> -> memref<640xf32, #tpu.memory_space<vmem_shared>>
      %dma_start3A_55 = tpu.memref_slice %arg16[%mul3A_2] : memref<10240xf32, #tpu.memory_space<vmem_shared>> -> memref<640xf32, #tpu.memory_space<vmem_shared>>
      tpu.enqueue_dma source(%arg12 : memref<640xf32, #tpu.memory_space<vmem>>) target(%dma_start3A_55 : memref<640xf32, #tpu.memory_space<vmem_shared>>) target_semaphore(%run_scoped3A : memref<!tpu.dma_semaphore, #tpu.memory_space<semaphore_mem>>)
      %dma_wait3A = tpu.memref_slice %arg16[%mul3A_2] : memref<10240xf32, #tpu.memory_space<vmem_shared>> -> memref<640xf32, #tpu.memory_space<vmem_shared>>
      %dma_wait3A_56 = tpu.memref_slice %arg16[%mul3A_2] : memref<10240xf32, #tpu.memory_space<vmem_shared>> -> memref<640xf32, #tpu.memory_space<vmem_shared>>
      tpu.wait_dma2 semaphore(%run_scoped3A : memref<!tpu.dma_semaphore, #tpu.memory_space<semaphore_mem>>) src(%arg12 : memref<640xf32, #tpu.memory_space<vmem>>) dst(%dma_wait3A_56 : memref<640xf32, #tpu.memory_space<vmem_shared>>)
      tpu.yield
    }) : () -> ()
    %barrier3A_32 = arith.constant 0 : index
    tpu.barrier barrier_id(%barrier3A_32)
    "tpu.region"() ({
      %run_scoped3A = tpu.sem_alloc : memref<!tpu.dma_semaphore, #tpu.memory_space<semaphore_mem>>
      tpu.enqueue_dma source(%arg16 : memref<10240xf32, #tpu.memory_space<vmem_shared>>) target(%arg10 : memref<10240xf32, #tpu.memory_space<vmem>>) target_semaphore(%run_scoped3A : memref<!tpu.dma_semaphore, #tpu.memory_space<semaphore_mem>>)
      tpu.wait_dma2 semaphore(%run_scoped3A : memref<!tpu.dma_semaphore, #tpu.memory_space<semaphore_mem>>) src(%arg16 : memref<10240xf32, #tpu.memory_space<vmem_shared>>) dst(%arg10 : memref<10240xf32, #tpu.memory_space<vmem>>)
      tpu.yield
    }) : () -> ()
    %swap3A_33 = arith.constant 0 : index
    %swap3A_34 = tpu.vector_load %arg13[%swap3A_33] {strides = array<i32>} : memref<32xf32, #tpu.memory_space<vmem>>, vector<16xf32>,
    tpu.vector_store %arg13[%swap3A_33], %broadcast_in_dim3A_5 {strides = array<i32>} : memref<32xf32, #tpu.memory_space<vmem>>, vector<16xf32>,
    %scan3A_35 = arith.constant 0 : i32
    %scan3A_36 = arith.constant 0 : i32
    %scan3A_37 = arith.constant 625 : i32
    %scan3A_38 = arith.addi %scan3A_36, %scan3A_37 : i32
    %scan3A_39 = arith.constant 1 : i32
    scf.for %scan3A_55 = %scan3A_36 to %scan3A_38 step %scan3A_39  : i32 {
      %mul3A_56 = arith.constant 16 : i32
      %mul3A_57 = arith.muli %scan3A_55, %mul3A_56 : i32
      %get3A = arith.index_cast %mul3A_57 : i32 to index
      %get3A_58 = tpu.vector_load %arg5[%get3A] {strides = array<i32>} : memref<10000xf32, #tpu.memory_space<vmem>>, vector<16xf32>,
      %get3A_59 = arith.index_cast %mul3A_57 : i32 to index
      %get3A_60 = tpu.vector_load %arg6[%get3A_59] {strides = array<i32>} : memref<10000xi32, #tpu.memory_space<vmem>>, vector<16xi32>,
      %gather3A = tpu.vector_load_idx %arg10[%get3A_60] : memref<10240xf32, #tpu.memory_space<vmem>>[vector<16xi32>], vector<16xf32>,
      %sub3A = arith.subf %get3A_58, %gather3A : vector<16xf32>
      %exp3A = math.exp %sub3A : vector<16xf32>
      %swap3A_61 = arith.index_cast %mul3A_57 : i32 to index
      %swap3A_62 = tpu.vector_load %arg7[%swap3A_61] {strides = array<i32>} : memref<10000xf32, #tpu.memory_space<vmem>>, vector<16xf32>,
      tpu.vector_store %arg7[%swap3A_61], %exp3A {strides = array<i32>} : memref<10000xf32, #tpu.memory_space<vmem>>, vector<16xf32>,
      %swap3A_63 = arith.constant 16 : index
      %swap3A_64 = tpu.vector_load %arg14[%swap3A_63] {strides = array<i32>} : memref<48xi32, #tpu.memory_space<vmem>>, vector<16xi32>,
      tpu.vector_store %arg14[%swap3A_63], %get3A_60 {strides = array<i32>} : memref<48xi32, #tpu.memory_space<vmem>>, vector<16xi32>,
      %swap3A_65 = arith.constant 16 : index
      %swap3A_66 = tpu.vector_load %arg13[%swap3A_65] {strides = array<i32>} : memref<32xf32, #tpu.memory_space<vmem>>, vector<16xf32>,
      tpu.vector_store %arg13[%swap3A_65], %exp3A {strides = array<i32>} : memref<32xf32, #tpu.memory_space<vmem>>, vector<16xf32>,
      %get3A_67 = arith.constant 15 : index
      %get3A_68 = tpu.vector_load %arg13[%get3A_67] {strides = array<i32>} : memref<32xf32, #tpu.memory_space<vmem>>, vector<16xf32>,
      %get3A_69 = arith.constant 15 : index
      %get3A_70 = tpu.vector_load %arg14[%get3A_69] {strides = array<i32>} : memref<48xi32, #tpu.memory_space<vmem>>, vector<16xi32>,
      %eq3A = arith.cmpi eq, %get3A_60, %get3A_70 : vector<16xi32>
      %add3A = arith.addf %exp3A, %get3A_68 : vector<16xf32>
      %select_n3A = arith.select %eq3A, %add3A, %exp3A : vector<16xi1>, vector<16xf32>
      %swap3A_71 = arith.constant 16 : index
      %swap3A_72 = tpu.vector_load %arg13[%swap3A_71] {strides = array<i32>} : memref<32xf32, #tpu.memory_space<vmem>>, vector<16xf32>,
      tpu.vector_store %arg13[%swap3A_71], %select_n3A {strides = array<i32>} : memref<32xf32, #tpu.memory_space<vmem>>, vector<16xf32>,
      %get3A_73 = arith.constant 14 : index
      %get3A_74 = tpu.vector_load %arg13[%get3A_73] {strides = array<i32>} : memref<32xf32, #tpu.memory_space<vmem>>, vector<16xf32>,
      %get3A_75 = arith.constant 14 : index
      %get3A_76 = tpu.vector_load %arg14[%get3A_75] {strides = array<i32>} : memref<48xi32, #tpu.memory_space<vmem>>, vector<16xi32>,
      %eq3A_77 = arith.cmpi eq, %get3A_60, %get3A_76 : vector<16xi32>
      %add3A_78 = arith.addf %select_n3A, %get3A_74 : vector<16xf32>
      %select_n3A_79 = arith.select %eq3A_77, %add3A_78, %select_n3A : vector<16xi1>, vector<16xf32>
      %swap3A_80 = arith.constant 16 : index
      %swap3A_81 = tpu.vector_load %arg13[%swap3A_80] {strides = array<i32>} : memref<32xf32, #tpu.memory_space<vmem>>, vector<16xf32>,
      tpu.vector_store %arg13[%swap3A_80], %select_n3A_79 {strides = array<i32>} : memref<32xf32, #tpu.memory_space<vmem>>, vector<16xf32>,
      %get3A_82 = arith.constant 12 : index
      %get3A_83 = tpu.vector_load %arg13[%get3A_82] {strides = array<i32>} : memref<32xf32, #tpu.memory_space<vmem>>, vector<16xf32>,
      %get3A_84 = arith.constant 12 : index
      %get3A_85 = tpu.vector_load %arg14[%get3A_84] {strides = array<i32>} : memref<48xi32, #tpu.memory_space<vmem>>, vector<16xi32>,
      %eq3A_86 = arith.cmpi eq, %get3A_60, %get3A_85 : vector<16xi32>
      %add3A_87 = arith.addf %select_n3A_79, %get3A_83 : vector<16xf32>
      %select_n3A_88 = arith.select %eq3A_86, %add3A_87, %select_n3A_79 : vector<16xi1>, vector<16xf32>
      %swap3A_89 = arith.constant 16 : index
      %swap3A_90 = tpu.vector_load %arg13[%swap3A_89] {strides = array<i32>} : memref<32xf32, #tpu.memory_space<vmem>>, vector<16xf32>,
      tpu.vector_store %arg13[%swap3A_89], %select_n3A_88 {strides = array<i32>} : memref<32xf32, #tpu.memory_space<vmem>>, vector<16xf32>,
      %get3A_91 = arith.constant 8 : index
      %get3A_92 = tpu.vector_load %arg13[%get3A_91] {strides = array<i32>} : memref<32xf32, #tpu.memory_space<vmem>>, vector<16xf32>,
      %get3A_93 = arith.constant 8 : index
      %get3A_94 = tpu.vector_load %arg14[%get3A_93] {strides = array<i32>} : memref<48xi32, #tpu.memory_space<vmem>>, vector<16xi32>,
      %eq3A_95 = arith.cmpi eq, %get3A_60, %get3A_94 : vector<16xi32>
      %add3A_96 = arith.addf %select_n3A_88, %get3A_92 : vector<16xf32>
      %select_n3A_97 = arith.select %eq3A_95, %add3A_96, %select_n3A_88 : vector<16xi1>, vector<16xf32>
      %get3A_98 = arith.constant 17 : index
      %get3A_99 = tpu.vector_load %arg14[%get3A_98] {strides = array<i32>} : memref<48xi32, #tpu.memory_space<vmem>>, vector<16xi32>,
      %ne3A = arith.cmpi ne, %get3A_60, %get3A_99 : vector<16xi32>
      %gather3A_100 = tpu.vector_load_idx %arg9[%get3A_60] : memref<10240xf32, #tpu.memory_space<vmem>>[vector<16xi32>], vector<16xf32>,
      %add3A_101 = arith.addf %select_n3A_97, %gather3A_100 : vector<16xf32>
      tpu.vector_store_idx %arg9[%get3A_60], %add3A_101 masked %ne3A : memref<10240xf32, #tpu.memory_space<vmem>>[vector<16xi32>], vector<16xf32>, vector<16xi1>
    }
    %scan3A_40 = arith.constant 625 : i32
    "tpu.region"() ({
      %run_scoped3A = tpu.sem_alloc : memref<!tpu.dma_semaphore, #tpu.memory_space<semaphore_mem>>
      %dma_start3A = arith.constant 0 : i32
      %dma_start3A_55 = tpu.memref_slice %arg15[%arg1, %dma_start3A] : memref<16x10240xf32, #tpu.memory_space<vmem_shared>> -> memref<1x10240xf32, #tpu.memory_space<vmem_shared>>
      %dma_start3A_56 = tpu.memref_squeeze %dma_start3A_55 : memref<1x10240xf32, #tpu.memory_space<vmem_shared>> -> memref<10240xf32, #tpu.memory_space<vmem_shared>>
      %dma_start3A_57 = arith.constant 0 : i32
      %dma_start3A_58 = tpu.memref_slice %arg15[%arg1, %dma_start3A_57] : memref<16x10240xf32, #tpu.memory_space<vmem_shared>> -> memref<1x10240xf32, #tpu.memory_space<vmem_shared>>
      %dma_start3A_59 = tpu.memref_squeeze %dma_start3A_58 : memref<1x10240xf32, #tpu.memory_space<vmem_shared>> -> memref<10240xf32, #tpu.memory_space<vmem_shared>>
      tpu.enqueue_dma source(%arg9 : memref<10240xf32, #tpu.memory_space<vmem>>) target(%dma_start3A_59 : memref<10240xf32, #tpu.memory_space<vmem_shared>>) target_semaphore(%run_scoped3A : memref<!tpu.dma_semaphore, #tpu.memory_space<semaphore_mem>>)
      %dma_wait3A = arith.constant 0 : i32
      %dma_wait3A_60 = tpu.memref_slice %arg15[%arg1, %dma_wait3A] : memref<16x10240xf32, #tpu.memory_space<vmem_shared>> -> memref<1x10240xf32, #tpu.memory_space<vmem_shared>>
      %dma_wait3A_61 = tpu.memref_squeeze %dma_wait3A_60 : memref<1x10240xf32, #tpu.memory_space<vmem_shared>> -> memref<10240xf32, #tpu.memory_space<vmem_shared>>
      %dma_wait3A_62 = arith.constant 0 : i32
      %dma_wait3A_63 = tpu.memref_slice %arg15[%arg1, %dma_wait3A_62] : memref<16x10240xf32, #tpu.memory_space<vmem_shared>> -> memref<1x10240xf32, #tpu.memory_space<vmem_shared>>
      %dma_wait3A_64 = tpu.memref_squeeze %dma_wait3A_63 : memref<1x10240xf32, #tpu.memory_space<vmem_shared>> -> memref<10240xf32, #tpu.memory_space<vmem_shared>>
      tpu.wait_dma2 semaphore(%run_scoped3A : memref<!tpu.dma_semaphore, #tpu.memory_space<semaphore_mem>>) src(%arg9 : memref<10240xf32, #tpu.memory_space<vmem>>) dst(%dma_wait3A_64 : memref<10240xf32, #tpu.memory_space<vmem_shared>>)
      tpu.yield
    }) : () -> ()
    %barrier3A_41 = arith.constant 0 : index
    tpu.barrier barrier_id(%barrier3A_41)
    "tpu.region"() ({
      %run_scoped3A = tpu.sem_alloc : memref<!tpu.dma_semaphore, #tpu.memory_space<semaphore_mem>>
      %dma_start3A = arith.constant 0 : i32
      %dma_start3A_55 = tpu.memref_slice %arg15[%dma_start3A, %mul3A_2] : memref<16x10240xf32, #tpu.memory_space<vmem_shared>> -> memref<16x640xf32, #tpu.memory_space<vmem_shared>>
      %dma_start3A_56 = arith.constant 0 : i32
      %dma_start3A_57 = tpu.memref_slice %arg15[%dma_start3A_56, %mul3A_2] : memref<16x10240xf32, #tpu.memory_space<vmem_shared>> -> memref<16x640xf32, #tpu.memory_space<vmem_shared>>
      tpu.enqueue_dma source(%dma_start3A_57 : memref<16x640xf32, #tpu.memory_space<vmem_shared>>) target(%arg11 : memref<16x640xf32, #tpu.memory_space<vmem>>) target_semaphore(%run_scoped3A : memref<!tpu.dma_semaphore, #tpu.memory_space<semaphore_mem>>)
      %dma_wait3A = arith.constant 0 : i32
      %dma_wait3A_58 = tpu.memref_slice %arg15[%dma_wait3A, %mul3A_2] : memref<16x10240xf32, #tpu.memory_space<vmem_shared>> -> memref<16x640xf32, #tpu.memory_space<vmem_shared>>
      %dma_wait3A_59 = arith.constant 0 : i32
      %dma_wait3A_60 = tpu.memref_slice %arg15[%dma_wait3A_59, %mul3A_2] : memref<16x10240xf32, #tpu.memory_space<vmem_shared>> -> memref<16x640xf32, #tpu.memory_space<vmem_shared>>
      tpu.wait_dma2 semaphore(%run_scoped3A : memref<!tpu.dma_semaphore, #tpu.memory_space<semaphore_mem>>) src(%dma_wait3A_60 : memref<16x640xf32, #tpu.memory_space<vmem_shared>>) dst(%arg11 : memref<16x640xf32, #tpu.memory_space<vmem>>)
      tpu.yield
    }) : () -> ()
    %scan3A_42 = arith.constant 0 : i32
    %scan3A_43 = arith.constant 0 : i32
    %scan3A_44 = arith.constant 40 : i32
    %scan3A_45 = arith.addi %scan3A_43, %scan3A_44 : i32
    %scan3A_46 = arith.constant 1 : i32
    scf.for %scan3A_55 = %scan3A_43 to %scan3A_45 step %scan3A_46  : i32 {
      %mul3A_56 = arith.constant 16 : i32
      %mul3A_57 = arith.muli %scan3A_55, %mul3A_56 : i32
      %get3A = arith.constant 0 : i32
      %get3A_58 = arith.index_cast %get3A : i32 to index
      %get3A_59 = arith.index_cast %mul3A_57 : i32 to index
      %get3A_60 = tpu.vector_load %arg11[%get3A_58, %get3A_59] {strides = array<i32>} : memref<16x640xf32, #tpu.memory_space<vmem>>, vector<16xf32>,
      %mul3A_61 = arith.constant 16 : i32
      %mul3A_62 = arith.muli %scan3A_55, %mul3A_61 : i32
      %get3A_63 = arith.constant 1 : i32
      %get3A_64 = arith.index_cast %get3A_63 : i32 to index
      %get3A_65 = arith.index_cast %mul3A_62 : i32 to index
      %get3A_66 = tpu.vector_load %arg11[%get3A_64, %get3A_65] {strides = array<i32>} : memref<16x640xf32, #tpu.memory_space<vmem>>, vector<16xf32>,
      %add3A = arith.addf %get3A_60, %get3A_66 : vector<16xf32>
      %mul3A_67 = arith.constant 16 : i32
      %mul3A_68 = arith.muli %scan3A_55, %mul3A_67 : i32
      %get3A_69 = arith.constant 2 : i32
      %get3A_70 = arith.index_cast %get3A_69 : i32 to index
      %get3A_71 = arith.index_cast %mul3A_68 : i32 to index
      %get3A_72 = tpu.vector_load %arg11[%get3A_70, %get3A_71] {strides = array<i32>} : memref<16x640xf32, #tpu.memory_space<vmem>>, vector<16xf32>,
      %add3A_73 = arith.addf %add3A, %get3A_72 : vector<16xf32>
      %mul3A_74 = arith.constant 16 : i32
      %mul3A_75 = arith.muli %scan3A_55, %mul3A_74 : i32
      %get3A_76 = arith.constant 3 : i32
      %get3A_77 = arith.index_cast %get3A_76 : i32 to index
      %get3A_78 = arith.index_cast %mul3A_75 : i32 to index
      %get3A_79 = tpu.vector_load %arg11[%get3A_77, %get3A_78] {strides = array<i32>} : memref<16x640xf32, #tpu.memory_space<vmem>>, vector<16xf32>,
      %add3A_80 = arith.addf %add3A_73, %get3A_79 : vector<16xf32>
      %mul3A_81 = arith.constant 16 : i32
      %mul3A_82 = arith.muli %scan3A_55, %mul3A_81 : i32
      %get3A_83 = arith.constant 4 : i32
      %get3A_84 = arith.index_cast %get3A_83 : i32 to index
      %get3A_85 = arith.index_cast %mul3A_82 : i32 to index
      %get3A_86 = tpu.vector_load %arg11[%get3A_84, %get3A_85] {strides = array<i32>} : memref<16x640xf32, #tpu.memory_space<vmem>>, vector<16xf32>,
      %add3A_87 = arith.addf %add3A_80, %get3A_86 : vector<16xf32>
      %mul3A_88 = arith.constant 16 : i32
      %mul3A_89 = arith.muli %scan3A_55, %mul3A_88 : i32
      %get3A_90 = arith.constant 5 : i32
      %get3A_91 = arith.index_cast %get3A_90 : i32 to index
      %get3A_92 = arith.index_cast %mul3A_89 : i32 to index
      %get3A_93 = tpu.vector_load %arg11[%get3A_91, %get3A_92] {strides = array<i32>} : memref<16x640xf32, #tpu.memory_space<vmem>>, vector<16xf32>,
      %add3A_94 = arith.addf %add3A_87, %get3A_93 : vector<16xf32>
      %mul3A_95 = arith.constant 16 : i32
      %mul3A_96 = arith.muli %scan3A_55, %mul3A_95 : i32
      %get3A_97 = arith.constant 6 : i32
      %get3A_98 = arith.index_cast %get3A_97 : i32 to index
      %get3A_99 = arith.index_cast %mul3A_96 : i32 to index
      %get3A_100 = tpu.vector_load %arg11[%get3A_98, %get3A_99] {strides = array<i32>} : memref<16x640xf32, #tpu.memory_space<vmem>>, vector<16xf32>,
      %add3A_101 = arith.addf %add3A_94, %get3A_100 : vector<16xf32>
      %mul3A_102 = arith.constant 16 : i32
      %mul3A_103 = arith.muli %scan3A_55, %mul3A_102 : i32
      %get3A_104 = arith.constant 7 : i32
      %get3A_105 = arith.index_cast %get3A_104 : i32 to index
      %get3A_106 = arith.index_cast %mul3A_103 : i32 to index
      %get3A_107 = tpu.vector_load %arg11[%get3A_105, %get3A_106] {strides = array<i32>} : memref<16x640xf32, #tpu.memory_space<vmem>>, vector<16xf32>,
      %add3A_108 = arith.addf %add3A_101, %get3A_107 : vector<16xf32>
      %mul3A_109 = arith.constant 16 : i32
      %mul3A_110 = arith.muli %scan3A_55, %mul3A_109 : i32
      %get3A_111 = arith.constant 8 : i32
      %get3A_112 = arith.index_cast %get3A_111 : i32 to index
      %get3A_113 = arith.index_cast %mul3A_110 : i32 to index
      %get3A_114 = tpu.vector_load %arg11[%get3A_112, %get3A_113] {strides = array<i32>} : memref<16x640xf32, #tpu.memory_space<vmem>>, vector<16xf32>,
      %add3A_115 = arith.addf %add3A_108, %get3A_114 : vector<16xf32>
      %mul3A_116 = arith.constant 16 : i32
      %mul3A_117 = arith.muli %scan3A_55, %mul3A_116 : i32
      %get3A_118 = arith.constant 9 : i32
      %get3A_119 = arith.index_cast %get3A_118 : i32 to index
      %get3A_120 = arith.index_cast %mul3A_117 : i32 to index
      %get3A_121 = tpu.vector_load %arg11[%get3A_119, %get3A_120] {strides = array<i32>} : memref<16x640xf32, #tpu.memory_space<vmem>>, vector<16xf32>,
      %add3A_122 = arith.addf %add3A_115, %get3A_121 : vector<16xf32>
      %mul3A_123 = arith.constant 16 : i32
      %mul3A_124 = arith.muli %scan3A_55, %mul3A_123 : i32
      %get3A_125 = arith.constant 10 : i32
      %get3A_126 = arith.index_cast %get3A_125 : i32 to index
      %get3A_127 = arith.index_cast %mul3A_124 : i32 to index
      %get3A_128 = tpu.vector_load %arg11[%get3A_126, %get3A_127] {strides = array<i32>} : memref<16x640xf32, #tpu.memory_space<vmem>>, vector<16xf32>,
      %add3A_129 = arith.addf %add3A_122, %get3A_128 : vector<16xf32>
      %mul3A_130 = arith.constant 16 : i32
      %mul3A_131 = arith.muli %scan3A_55, %mul3A_130 : i32
      %get3A_132 = arith.constant 11 : i32
      %get3A_133 = arith.index_cast %get3A_132 : i32 to index
      %get3A_134 = arith.index_cast %mul3A_131 : i32 to index
      %get3A_135 = tpu.vector_load %arg11[%get3A_133, %get3A_134] {strides = array<i32>} : memref<16x640xf32, #tpu.memory_space<vmem>>, vector<16xf32>,
      %add3A_136 = arith.addf %add3A_129, %get3A_135 : vector<16xf32>
      %mul3A_137 = arith.constant 16 : i32
      %mul3A_138 = arith.muli %scan3A_55, %mul3A_137 : i32
      %get3A_139 = arith.constant 12 : i32
      %get3A_140 = arith.index_cast %get3A_139 : i32 to index
      %get3A_141 = arith.index_cast %mul3A_138 : i32 to index
      %get3A_142 = tpu.vector_load %arg11[%get3A_140, %get3A_141] {strides = array<i32>} : memref<16x640xf32, #tpu.memory_space<vmem>>, vector<16xf32>,
      %add3A_143 = arith.addf %add3A_136, %get3A_142 : vector<16xf32>
      %mul3A_144 = arith.constant 16 : i32
      %mul3A_145 = arith.muli %scan3A_55, %mul3A_144 : i32
      %get3A_146 = arith.constant 13 : i32
      %get3A_147 = arith.index_cast %get3A_146 : i32 to index
      %get3A_148 = arith.index_cast %mul3A_145 : i32 to index
      %get3A_149 = tpu.vector_load %arg11[%get3A_147, %get3A_148] {strides = array<i32>} : memref<16x640xf32, #tpu.memory_space<vmem>>, vector<16xf32>,
      %add3A_150 = arith.addf %add3A_143, %get3A_149 : vector<16xf32>
      %mul3A_151 = arith.constant 16 : i32
      %mul3A_152 = arith.muli %scan3A_55, %mul3A_151 : i32
      %get3A_153 = arith.constant 14 : i32
      %get3A_154 = arith.index_cast %get3A_153 : i32 to index
      %get3A_155 = arith.index_cast %mul3A_152 : i32 to index
      %get3A_156 = tpu.vector_load %arg11[%get3A_154, %get3A_155] {strides = array<i32>} : memref<16x640xf32, #tpu.memory_space<vmem>>, vector<16xf32>,
      %add3A_157 = arith.addf %add3A_150, %get3A_156 : vector<16xf32>
      %mul3A_158 = arith.constant 16 : i32
      %mul3A_159 = arith.muli %scan3A_55, %mul3A_158 : i32
      %get3A_160 = arith.constant 15 : i32
      %get3A_161 = arith.index_cast %get3A_160 : i32 to index
      %get3A_162 = arith.index_cast %mul3A_159 : i32 to index
      %get3A_163 = tpu.vector_load %arg11[%get3A_161, %get3A_162] {strides = array<i32>} : memref<16x640xf32, #tpu.memory_space<vmem>>, vector<16xf32>,
      %add3A_164 = arith.addf %add3A_157, %get3A_163 : vector<16xf32>
      %mul3A_165 = arith.constant 16 : i32
      %mul3A_166 = arith.muli %scan3A_55, %mul3A_165 : i32
      %swap3A_167 = arith.index_cast %mul3A_166 : i32 to index
      %swap3A_168 = tpu.vector_load %arg12[%swap3A_167] {strides = array<i32>} : memref<640xf32, #tpu.memory_space<vmem>>, vector<16xf32>,
      tpu.vector_store %arg12[%swap3A_167], %add3A_164 {strides = array<i32>} : memref<640xf32, #tpu.memory_space<vmem>>, vector<16xf32>,
    }
    %scan3A_47 = arith.constant 40 : i32
    "tpu.region"() ({
      %run_scoped3A = tpu.sem_alloc : memref<!tpu.dma_semaphore, #tpu.memory_space<semaphore_mem>>
      %dma_start3A = tpu.memref_slice %arg16[%mul3A_2] : memref<10240xf32, #tpu.memory_space<vmem_shared>> -> memref<640xf32, #tpu.memory_space<vmem_shared>>
      %dma_start3A_55 = tpu.memref_slice %arg16[%mul3A_2] : memref<10240xf32, #tpu.memory_space<vmem_shared>> -> memref<640xf32, #tpu.memory_space<vmem_shared>>
      tpu.enqueue_dma source(%arg12 : memref<640xf32, #tpu.memory_space<vmem>>) target(%dma_start3A_55 : memref<640xf32, #tpu.memory_space<vmem_shared>>) target_semaphore(%run_scoped3A : memref<!tpu.dma_semaphore, #tpu.memory_space<semaphore_mem>>)
      %dma_wait3A = tpu.memref_slice %arg16[%mul3A_2] : memref<10240xf32, #tpu.memory_space<vmem_shared>> -> memref<640xf32, #tpu.memory_space<vmem_shared>>
      %dma_wait3A_56 = tpu.memref_slice %arg16[%mul3A_2] : memref<10240xf32, #tpu.memory_space<vmem_shared>> -> memref<640xf32, #tpu.memory_space<vmem_shared>>
      tpu.wait_dma2 semaphore(%run_scoped3A : memref<!tpu.dma_semaphore, #tpu.memory_space<semaphore_mem>>) src(%arg12 : memref<640xf32, #tpu.memory_space<vmem>>) dst(%dma_wait3A_56 : memref<640xf32, #tpu.memory_space<vmem_shared>>)
      tpu.yield
    }) : () -> ()
    %barrier3A_48 = arith.constant 0 : index
    tpu.barrier barrier_id(%barrier3A_48)
    "tpu.region"() ({
      %run_scoped3A = tpu.sem_alloc : memref<!tpu.dma_semaphore, #tpu.memory_space<semaphore_mem>>
      tpu.enqueue_dma source(%arg16 : memref<10240xf32, #tpu.memory_space<vmem_shared>>) target(%arg10 : memref<10240xf32, #tpu.memory_space<vmem>>) target_semaphore(%run_scoped3A : memref<!tpu.dma_semaphore, #tpu.memory_space<semaphore_mem>>)
      tpu.wait_dma2 semaphore(%run_scoped3A : memref<!tpu.dma_semaphore, #tpu.memory_space<semaphore_mem>>) src(%arg16 : memref<10240xf32, #tpu.memory_space<vmem_shared>>) dst(%arg10 : memref<10240xf32, #tpu.memory_space<vmem>>)
      tpu.yield
    }) : () -> ()
    %scan3A_49 = arith.constant 0 : i32
    %scan3A_50 = arith.constant 0 : i32
    %scan3A_51 = arith.constant 625 : i32
    %scan3A_52 = arith.addi %scan3A_50, %scan3A_51 : i32
    %scan3A_53 = arith.constant 1 : i32
    scf.for %scan3A_55 = %scan3A_50 to %scan3A_52 step %scan3A_53  : i32 {
      %mul3A_56 = arith.constant 16 : i32
      %mul3A_57 = arith.muli %scan3A_55, %mul3A_56 : i32
      %get3A = arith.index_cast %mul3A_57 : i32 to index
      %get3A_58 = tpu.vector_load %arg7[%get3A] {strides = array<i32>} : memref<10000xf32, #tpu.memory_space<vmem>>, vector<16xf32>,
      %get3A_59 = arith.index_cast %mul3A_57 : i32 to index
      %get3A_60 = tpu.vector_load %arg6[%get3A_59] {strides = array<i32>} : memref<10000xi32, #tpu.memory_space<vmem>>, vector<16xi32>,
      %gather3A = tpu.vector_load_idx %arg10[%get3A_60] : memref<10240xf32, #tpu.memory_space<vmem>>[vector<16xi32>], vector<16xf32>,
      %add3A = arith.constant 1.000000e-16 : f32
      %add3A_61 = vector.broadcast %add3A : f32 to vector<16xf32>
      %add3A_62 = arith.addf %gather3A, %add3A_61 : vector<16xf32>
      %div3A = arith.divf %get3A_58, %add3A_62 : vector<16xf32>
      %swap3A_63 = arith.index_cast %mul3A_57 : i32 to index
      %swap3A_64 = tpu.vector_load %arg7[%swap3A_63] {strides = array<i32>} : memref<10000xf32, #tpu.memory_space<vmem>>, vector<16xf32>,
      tpu.vector_store %arg7[%swap3A_63], %div3A {strides = array<i32>} : memref<10000xf32, #tpu.memory_space<vmem>>, vector<16xf32>,
    }
    %scan3A_54 = arith.constant 625 : i32
    "tpu.region"() ({
      %run_scoped3A = tpu.sem_alloc : memref<!tpu.dma_semaphore, #tpu.memory_space<semaphore_mem>>
      %dma_start3A = tpu.memref_slice %arg4[%mul3A_0] : memref<160000xf32, #tpu.memory_space<hbm>> -> memref<10000xf32, #tpu.memory_space<hbm>>
      %dma_start3A_55 = tpu.memref_slice %arg4[%mul3A_0] : memref<160000xf32, #tpu.memory_space<hbm>> -> memref<10000xf32, #tpu.memory_space<hbm>>
      tpu.enqueue_dma source(%arg7 : memref<10000xf32, #tpu.memory_space<vmem>>) target(%dma_start3A_55 : memref<10000xf32, #tpu.memory_space<hbm>>) target_semaphore(%run_scoped3A : memref<!tpu.dma_semaphore, #tpu.memory_space<semaphore_mem>>)
      %dma_wait3A = tpu.memref_slice %arg4[%mul3A_0] : memref<160000xf32, #tpu.memory_space<hbm>> -> memref<10000xf32, #tpu.memory_space<hbm>>
      %dma_wait3A_56 = tpu.memref_slice %arg4[%mul3A_0] : memref<160000xf32, #tpu.memory_space<hbm>> -> memref<10000xf32, #tpu.memory_space<hbm>>
      tpu.wait_dma2 semaphore(%run_scoped3A : memref<!tpu.dma_semaphore, #tpu.memory_space<semaphore_mem>>) src(%arg7 : memref<10000xf32, #tpu.memory_space<vmem>>) dst(%dma_wait3A_56 : memref<10000xf32, #tpu.memory_space<hbm>>)
      tpu.yield
    }) : () -> ()
    return
  }
}

module attributes {stable_mosaic.version = 14 : i64} {
  func.func @_tc_body(%arg0: i32, %arg1: memref<32x6400xf32, #tpu.memory_space<vmem>>, %arg2: memref<32x6400xf32, #tpu.memory_space<vmem>>, %arg3: memref<16x6400xf32, #tpu.memory_space<vmem>>, %arg4: memref<512x32xf32, #tpu.memory_space<vmem>>, %arg5: memref<512x32xf32, #tpu.memory_space<vmem>>, %arg6: memref<512x16xf32, #tpu.memory_space<vmem>>, %arg7: memref<1x1x6400xf32, #tpu.memory_space<vmem>>) attributes {dimension_semantics = [#tpu.dimension_semantics<arbitrary>], iteration_bounds = array<i64: 25>, scalar_prefetch = 0 : i64, scratch_operands = 0 : i64, tpu.core_type = #tpu.core_type<tc>, window_params = [{transform_indices = @transform_0, window_bounds = array<i64: 32, 6400>}, {transform_indices = @transform_1, window_bounds = array<i64: 32, 6400>}, {transform_indices = @transform_2, window_bounds = array<i64: 16, 6400>}, {pipeline_mode = #tpu.pipeline_mode<synchronous>, transform_indices = @transform_3, window_bounds = array<i64: 512, 32>}, {pipeline_mode = #tpu.pipeline_mode<synchronous>, transform_indices = @transform_4, window_bounds = array<i64: 512, 32>}, {pipeline_mode = #tpu.pipeline_mode<synchronous>, transform_indices = @transform_5, window_bounds = array<i64: 512, 16>}, {transform_indices = @transform_6, window_bounds = array<i64: 1, 1, 6400>}]} {
    %get3A = arith.constant 0 : index
    %get3A_0 = arith.constant 0 : index
    %get3A_1 = vector.load %arg4[%get3A, %get3A_0] : memref<512x32xf32, #tpu.memory_space<vmem>>, vector<512x32xf32>
    %get3A_2 = arith.constant 0 : index
    %get3A_3 = arith.constant 0 : index
    %get3A_4 = vector.load %arg1[%get3A_2, %get3A_3] : memref<32x6400xf32, #tpu.memory_space<vmem>>, vector<32x6400xf32>
    %dot_general3A = arith.constant dense<0.000000e+00> : vector<512x6400xf32>
    %dot_general3A_5 = tpu.matmul %get3A_1, %get3A_4, %dot_general3A {dimension_numbers = #tpu.dot_dimension_numbers<[1], [0], [0], [1], [0, 0, 1, 1], [], []>, transpose_lhs_hint = false} : vector<512x32xf32>, vector<32x6400xf32>, vector<512x6400xf32> -> vector<512x6400xf32>
    %get3A_6 = arith.constant 0 : index
    %get3A_7 = arith.constant 0 : index
    %get3A_8 = vector.load %arg5[%get3A_6, %get3A_7] : memref<512x32xf32, #tpu.memory_space<vmem>>, vector<512x32xf32>
    %get3A_9 = arith.constant 0 : index
    %get3A_10 = arith.constant 0 : index
    %get3A_11 = vector.load %arg2[%get3A_9, %get3A_10] : memref<32x6400xf32, #tpu.memory_space<vmem>>, vector<32x6400xf32>
    %dot_general3A_12 = arith.constant dense<0.000000e+00> : vector<512x6400xf32>
    %dot_general3A_13 = tpu.matmul %get3A_8, %get3A_11, %dot_general3A_12 {dimension_numbers = #tpu.dot_dimension_numbers<[1], [0], [0], [1], [0, 0, 1, 1], [], []>, transpose_lhs_hint = false} : vector<512x32xf32>, vector<32x6400xf32>, vector<512x6400xf32> -> vector<512x6400xf32>
    %get3A_14 = arith.constant 0 : index
    %get3A_15 = arith.constant 0 : index
    %get3A_16 = vector.load %arg6[%get3A_14, %get3A_15] : memref<512x16xf32, #tpu.memory_space<vmem>>, vector<512x16xf32>
    %get3A_17 = arith.constant 0 : index
    %get3A_18 = arith.constant 0 : index
    %get3A_19 = vector.load %arg3[%get3A_17, %get3A_18] : memref<16x6400xf32, #tpu.memory_space<vmem>>, vector<16x6400xf32>
    %dot_general3A_20 = arith.constant dense<0.000000e+00> : vector<512x6400xf32>
    %dot_general3A_21 = tpu.matmul %get3A_16, %get3A_19, %dot_general3A_20 {dimension_numbers = #tpu.dot_dimension_numbers<[1], [0], [0], [1], [0, 0, 1, 1], [], []>, transpose_lhs_hint = false} : vector<512x16xf32>, vector<16x6400xf32>, vector<512x6400xf32> -> vector<512x6400xf32>
    %mul3A = arith.mulf %dot_general3A_5, %dot_general3A_13 : vector<512x6400xf32>
    %mul3A_22 = arith.mulf %mul3A, %dot_general3A_21 : vector<512x6400xf32>
    %reduce_sum3A = arith.constant dense<0.000000e+00> : vector<6400xf32>
    %reduce_sum3A_23 = vector.multi_reduction <add>, %mul3A_22, %reduce_sum3A [0] : vector<512x6400xf32> to vector<6400xf32>
    %reshape3A = vector.shape_cast %reduce_sum3A_23 : vector<6400xf32> to vector<1x1x6400xf32>
    %swap3A = arith.constant 0 : index
    %swap3A_24 = arith.constant 0 : index
    %swap3A_25 = arith.constant 0 : index
    %swap3A_26 = vector.load %arg7[%swap3A, %swap3A_24, %swap3A_25] : memref<1x1x6400xf32, #tpu.memory_space<vmem>>, vector<1x1x6400xf32>
    tpu.vector_store %arg7[%swap3A, %swap3A_24, %swap3A_25], %reshape3A {strides = array<i32>} : memref<1x1x6400xf32, #tpu.memory_space<vmem>>, vector<1x1x6400xf32>,
    return
  }
  func.func @transform_0(%arg0: i32) -> (i32, i32) {
    %c0_i32 = arith.constant 0 : i32
    %c0_i32_0 = arith.constant 0 : i32
    return %c0_i32, %arg0 : i32, i32
  }
  func.func @transform_1(%arg0: i32) -> (i32, i32) {
    %c0_i32 = arith.constant 0 : i32
    %c0_i32_0 = arith.constant 0 : i32
    return %c0_i32, %arg0 : i32, i32
  }
  func.func @transform_2(%arg0: i32) -> (i32, i32) {
    %c0_i32 = arith.constant 0 : i32
    %c0_i32_0 = arith.constant 0 : i32
    return %c0_i32, %arg0 : i32, i32
  }
  func.func @transform_3(%arg0: i32) -> (i32, i32) {
    %c0_i32 = arith.constant 0 : i32
    %c0_i32_0 = arith.constant 0 : i32
    %c0_i32_1 = arith.constant 0 : i32
    return %c0_i32, %c0_i32_0 : i32, i32
  }
  func.func @transform_4(%arg0: i32) -> (i32, i32) {
    %c0_i32 = arith.constant 0 : i32
    %c0_i32_0 = arith.constant 0 : i32
    %c0_i32_1 = arith.constant 0 : i32
    return %c0_i32, %c0_i32_0 : i32, i32
  }
  func.func @transform_5(%arg0: i32) -> (i32, i32) {
    %c0_i32 = arith.constant 0 : i32
    %c0_i32_0 = arith.constant 0 : i32
    %c0_i32_1 = arith.constant 0 : i32
    return %c0_i32, %c0_i32_0 : i32, i32
  }
  func.func @transform_6(%arg0: i32) -> (i32, i32, i32) {
    %c0_i32 = arith.constant 0 : i32
    %c0_i32_0 = arith.constant 0 : i32
    %c0_i32_1 = arith.constant 0 : i32
    return %arg0, %c0_i32, %c0_i32_0 : i32, i32, i32
  }
}

</mosaic_0001>

<sc_bundles>
// kernel: kernel.4.cloned.1.call-start
scs
__scs_entry_jumppad:
0x0: {  	(pc) =	sbr.rel $0x88, $3  }
0x1: {  	(tag) =	ssettag $0x0;
	lr =	simm.s32 $0x1  }
0x2: {  	[smem:$0x3F9A] =	sst lr;
	_ =	strace $0xD0000000  }
0x3: {  	_ = 	snop  }
0x4: {  	_ = 	snop  }
0x5: {  	_ = 	snop  }
0x6: {  	_ = 	snop  }
0x7: {  	_ = 	snop  }
__scs_overlays_trampoline_lowered:
0x8: {  	[smem:$0x3FA9] =	sst s0  }
0x9: {  	[smem:$0x3FAA] =	sst s1  }
0xa: {  	[smem:$0x3FAB] =	sst s2  }
0xb: {  	[smem:$0x3FAC] =	sst s3  }
0xc: {  	[smem:$0x3FAD] =	sst s4  }
0xd: {  	[smem:$0x3FAE] =	sst s5  }
0xe: {  	[smem:$0x3FAF] =	sst s6  }
0xf: {  	[smem:$0x3FB0] =	sst s7  }
0x10: {  	[smem:$0x3FB1] =	sst s8  }
0x11: {  	[smem:$0x3FB2] =	sst s9;
	s0 =	simm.s32 @!p0 $0x0  }
0x12: {  	s1 =	sld [smem:$0x3F98];
	s0 =	simm.s32 @p0 $0x1  }
0x13: {  	[smem:$0x3FB3] =	sst s0;
	s0 =	simm.s32 @!p1 $0x0  }
0x14: {  	s2 =	sld [smem:$0x3F97];
	s0 =	simm.s32 @p1 $0x1  }
0x15: {  	[smem:$0x3FB4] =	sst s0;
	s0 =	simm.s32 @!p2 $0x0  }
0x16: {  	s3 =	sld [smem:$0x3FDB];
	s0 =	simm.s32 @p2 $0x1  }
0x17: {  	s4 =	simm.s32 $0x1BF5;
	[smem:$0x3FB6] =	sst s0  }
0x18: {  	s0 =	sld [smem:$0x3F99];
	_ =	swait.ge [sflag:s4], $0x0  }
0x19: {  	s7 =	sld [smem:$0x3F9A]  }
0x1a: {  	s8 =	sadd.s32 $0xFFFFE003, lr  }
0x1b: {  	s9 =	sadd.s32 $0xFFFFFEF7, lr;
	s5 =	simm.s32 $0xFFFFFFFF;
	p2 =	slt.u32 s8, $0xFFFFF086  }
0x1c: {  	p1 =	slt.u32 s9, $0xF7A;
	s5 =	simm.s32 @!p2 $0x0  }
0x1d: {  	s5 =	simm.s32 @p1 $0x1;
	p0 =	seq.s32 s7, s2  }
0x1e: {  	s7 =	smul.u32 @!p0 $0xF7A, s2;
	p2 =	seq.s32 @!p0 s5, $0x0  }
0x1f: {  	s9 =	smul.u32 $0xF7A, s1;
	s8 =	simm.s32 @!p0 $0x1BF5;
	p2 =	por !p2, p0  }
0x20: {  	[sflag:s8] =	ssyncset.s32 @!p0 $0xFFFFF086;
	s6 =	sadd.s32 @!p0 s3, s7;
	s7 =	simm.s32 @!p0 $0x108  }
0x21: {  	s3 =	sadd.s32 s3, s9;
	s6 =	sadd.s32 @!p0 $0x88, s6;
	s7 =	simm.s32 @p2 $0x1082  }
0x22: {  	[simem:s7], [sflag:s8] =	dma.local @!p0 [hbm:s6], $0xF7A  }
0x23: {  	s9 =	sor.u32 $0xD0000000, s2;
	s6 =	simm.s32 $0x108;
	_ =	swait.ge @!p0 [sflag:s8], $0x0  }
0x24: {  	s3 =	sadd.s32 $0x88, s3;
	s6 =	simm.s32 @!p1 $0x1082;
	[sflag:s4] =	ssyncset.s32 $0xFFFFF086  }
0x25: {  	[simem:s6], [sflag:s4] =	dma.local [hbm:s3], $0xF7A  }
0x26: {  	[smem:$0x3F9A] =	sst s1;
	(tag) =	ssettag s2;
	_ =	strace s9  }
0x27: {  	s1 =	sld [smem:$0x3FAA]  }
0x28: {  	s2 =	sld [smem:$0x3FAB]  }
0x29: {  	s4 =	sld [smem:$0x3FAD]  }
0x2a: {  	p0 =	seq.s32 s5, $0x0;
	s5 =	sld [smem:$0x3FAE]  }
0x2b: {  	s6 =	sld [smem:$0x3FAF]  }
0x2c: {  	s7 =	sld [smem:$0x3FB0]  }
0x2d: {  	s3 =	simm.s32 $0x108;
	s8 =	sld [smem:$0x3FB1]  }
0x2e: {  	s3 =	simm.s32 @!p0 $0x1082;
	s9 =	sld [smem:$0x3FB2]  }
0x2f: {  	lr =	sadd.s32 s0, s3;
	s0 =	sld [smem:$0x3FA9]  }
0x30: {  	s3 =	sld [smem:$0x3FAC]  }
0x31: {  	[smem:$0x3FB5] =	sst s10  }
0x32: {  	s10 =	sld [smem:$0x3FB3];
	_ =	sdelay $0x3  }
0x33: {  	p0 =	seq.s32 s10, $0x1;
	s10 =	sld [smem:$0x3FB5];
	_ =	sdelay $0x3  }
0x34: {  	[smem:$0x3FB5] =	sst s10  }
0x35: {  	s10 =	sld [smem:$0x3FB4];
	_ =	sdelay $0x3  }
0x36: {  	p1 =	seq.s32 s10, $0x1;
	s10 =	sld [smem:$0x3FB5];
	_ =	sdelay $0x3  }
0x37: {  	[smem:$0x3FB5] =	sst s10  }
0x38: {  	s10 =	sld [smem:$0x3FB6]  }
0x39: {  	_ = 	snop;
	(pc) =	sbr.ind lr, $3  }
0x3a: {  	_ = 	snop  }
0x3b: {  	_ = 	snop  }
0x3c: {  	p2 =	seq.s32 s10, $0x1;
	s10 =	sld [smem:$0x3FB5]  }
0x3d: {  	_ =	shalt  }
0x3e: {  	_ =	shalt  }
0x3f: {  	_ =	shalt  }
0x40: {  	_ =	shalt  }
0x41: {  	_ =	shalt  }
0x42: {  	_ =	shalt  }
0x43: {  	_ =	shalt  }
0x44: {  	_ =	shalt  }
0x45: {  	_ =	shalt  }
0x46: {  	_ =	shalt  }
0x47: {  	_ =	shalt  }
0x48: {  	_ =	shalt  }
0x49: {  	_ =	shalt  }
0x4a: {  	_ =	shalt  }
0x4b: {  	_ =	shalt  }
0x4c: {  	_ =	shalt  }
0x4d: {  	_ =	shalt  }
0x4e: {  	_ =	shalt  }
0x4f: {  	_ =	shalt  }
0x50: {  	_ =	shalt  }
0x51: {  	_ =	shalt  }
0x52: {  	_ =	shalt  }
0x53: {  	_ =	shalt  }
0x54: {  	_ =	shalt  }
0x55: {  	_ =	shalt  }
0x56: {  	_ =	shalt  }
0x57: {  	_ =	shalt  }
0x58: {  	_ =	shalt  }
0x59: {  	_ =	shalt  }
0x5a: {  	_ =	shalt  }
0x5b: {  	_ =	shalt  }
0x5c: {  	_ =	shalt  }
0x5d: {  	_ =	shalt  }
0x5e: {  	_ =	shalt  }
0x5f: {  	_ =	shalt  }
0x60: {  	_ =	shalt  }
0x61: {  	_ =	shalt  }
0x62: {  	_ =	shalt  }
0x63: {  	_ =	shalt  }
0x64: {  	_ =	shalt  }
0x65: {  	_ =	shalt  }
0x66: {  	_ =	shalt  }
0x67: {  	_ =	shalt  }
0x68: {  	_ =	shalt  }
0x69: {  	_ =	shalt  }
0x6a: {  	_ =	shalt  }
0x6b: {  	_ =	shalt  }
0x6c: {  	_ =	shalt  }
0x6d: {  	_ =	shalt  }
0x6e: {  	_ =	shalt  }
0x6f: {  	_ =	shalt  }
0x70: {  	_ =	shalt  }
0x71: {  	_ =	shalt  }
0x72: {  	_ =	shalt  }
0x73: {  	_ =	shalt  }
0x74: {  	_ =	shalt  }
0x75: {  	_ =	shalt  }
0x76: {  	_ =	shalt  }
0x77: {  	_ =	shalt  }
0x78: {  	_ =	shalt  }
0x79: {  	_ =	shalt  }
0x7a: {  	_ =	shalt  }
0x7b: {  	_ =	shalt  }
0x7c: {  	_ =	shalt  }
0x7d: {  	_ =	shalt  }
0x7e: {  	_ =	shalt  }
0x7f: {  	_ =	shalt  }
0x80: {  	_ =	shalt  }
0x81: {  	_ =	shalt  }
0x82: {  	_ =	shalt  }
0x83: {  	_ =	shalt  }
0x84: {  	_ =	shalt  }
0x85: {  	_ =	shalt  }
0x86: {  	_ =	shalt  }
0x87: {  	_ =	shalt  }
.Lfunc_end0:
.L_simem_size_0:
called_computation_lowered:
.L_overlay_start_0:
0x88: {  	s0 =	sld [smem:$0x3FD9]  }
0x89: {  	s1 =	sld [smem:$0x3FFE];
	_ =	sdelay $0x3  }
0x8a: {  	s0 =	sadd.s32 s1, s0  }
0x8b: {  	[smem:$0x3FC1] =	sst s0  }
0x8c: {  	_ = 	snop  }
0x8d: {  	(tm) =	ssettm $0x1  }
0x8e: {  	s15 =	sld [smem:$0x3FFB];
	_ =	sdelay $0x3  }
0x8f: {  	_ =	strace s15  }
0x90: {  	s0 =	sld [smem:$0x3FFC];
	_ =	sdelay $0x3  }
0x91: {  	_ =	strace s0  }
0x92: {  	s0 =	sld [smem:$0x3FFD];
	_ =	sdelay $0x3  }
0x93: {  	_ =	strace s0  }
0x94: {  	_ =	strace $0x8FFFFFFF  }
0x95: {  	s16 =	sld [smem:$0x3FDB];
	_ =	sdelay $0x1  }
0x96: {  	s17 =	simm.s32 $_scs_section_size  }
0x97: {  	s2 =	simm.s32 $_size__tile_overlayer_lowered;
	s3 =	simm.s32 $_tile_overlayer_lowered  }
0x98: {  	s20 =	simm.s32 $0x1BFF;
	s19 =	sshll.u32 s3, $0x1;
	s0 =	sadd.s32 s17, s16  }
0x99: {  	s4 =	simm.s32 $0x0;
	s18 =	sshll.u32 s2, $0x1;
	s2 =	sadd.s32 s19, s0  }
0x9a: {  	[timem:s4], [sflag:s20] =	dma.local [hbm:s2], s18  }
0x9b: {  	_ =	swait.ge [sflag:s20], s18  }
0x9c: {  	s1 =	ssub.s32 $0x0, s18;
	[sflag:s20] =	ssyncset.done $0x0  }
0x9d: {  	[sflag:s20] =	ssyncadd.s32 s1;
	_ =	sdelay $0x1  }
0x9e: {  	s21 =	simm.s32 $0x1B8B  }
0x9f: {  	_ =	swait.ge [sflag:s21], $0x1  }
0xa0: {  	[sflag:s21] =	ssyncset.done $0x0  }
0xa1: {  	s23 =	simm.s32 $0x1B8E;
	s22 =	sld [smem:$0x3FFE];
	[sflag:s21] =	ssyncadd.s32 $0xFFFFFFFF  }
0xa2: {  	s24 =	simm.s32 $execute0_lowered;
	[smem:$0x3FD2] =	sst s23  }
0xa3: {  	s2 =	sshll.u32 s24, $0x1;
	_ =	strace $0x80000046;
	[dreg:$0x1] =	wrdreg $0xFFFFFFFF  }
0xa4: {  	s25 =	simm.s32 $_size_execute0_lowered;
	s0 =	sadd.s32 s0, s2;
	[dreg:$0x0] =	wrdreg $0x0  }
0xa5: {  	s2 =	sshll.u32 s25, $0x1;
	[dreg:$0x2] =	wrdreg s0  }
0xa6: {  	[dreg:$0x3] =	wrdreg s2  }
0xa7: {  	[dreg:$0x4] =	wrdreg $0xC0  }
0xa8: {  	_ =	task [dreg:s4], $0x5FFFF  }
0xa9: {  	[dreg:$0x1] =	wrdreg $0xFFFFFFFF  }
0xaa: {  	[dreg:$0x0] =	wrdreg $0x60  }
0xab: {  	[dreg:$0x2] =	wrdreg s22  }
0xac: {  	[dreg:$0x3] =	wrdreg $0x11A000  }
0xad: {  	[dreg:$0x4] =	wrdreg $0x142000  }
0xae: {  	[dreg:$0x5] =	wrdreg $0x9  }
0xaf: {  	_ =	task.clear_ibuf [dreg:s4], $0x6FFFF;
	_ =	strace $0x90000046  }
0xb0: {  	s26 =	simm.s32 $0x9;
	_ =	strace $0x80000048  }
0xb1: {  	_ =	swait.ge [sflag:s26], $0x1  }
0xb2: {  	[sflag:s26] =	ssyncadd.s32 $0xFFFFFFFF  }
0xb3: {  	_ =	strace $0x90000048  }
0xb4: {  	_ =	sfence  }
0xb5: {  	s28 =	sld [smem:$0x0];
	_ =	sdelay $0x1  }
0xb6: {  	s29 =	srdreg.scid  }
0xb7: {  	s30 =	sshll.u32 s29, $0xD;
	s31 =	sshrl.u32 s29, $0x2  }
0xb8: {  	s1 =	sand.u32 $0x1, s29;
	s2 =	sand.u32 $0x4000, s30;
	s0 =	sadd.s32 s31, s28  }
0xb9: {  	s1 =	sor.u32 s2, s1;
	s0 =	sshll.u32 s0, $0x11  }
0xba: {  	s0 =	sor.u32 s0, s1  }
0xbb: {  	s0 =	sadd.s32 $0x8F2B, s0  }
0xbc: {  	[sflag:s0] =	ssyncadd.remote.s32 $0x1  }
0xbd: {  	_ =	sfence.sel $0xFFFF  }
0xbe: {  	[dreg:$0x0] =	wrdreg $0xFFFFFFFF;
	(pc) =	sbr.abs _section_cstart, $3  }
0xbf: {  	[dreg:$0x1] =	wrdreg $0xFFFFFFFF  }
0xc0: {  	_ =	task.clear_ibuf [dreg:s4], $0x2FFFF;
	_ =	strace $0x9FFFFFFF  }
0xc1: {  	(tm) =	ssettm $0x7FFFFFFF  }
tec
execute0_lowered:
.L_overlay_start_1:
0x0: {  	(tag) =	ssettag $0x1  }
0x1: {  	s3 =	rddreg [dreg:$0x0]  }
0x2: {  	s5 =	rddreg [dreg:$0x1];
	s0 =	stileid.u32  }
0x3: {  	s4 =	rddreg [dreg:$0x2];
	s2 =	smul.u32 $0x4E2, s0  }
0x4: {  	s1 =	rddreg [dreg:$0x3];
	s6 =	simm.s32 $0x0  }
0x5: {  	[smem:$0x7FF] =	sst s6;
	s7 =	sadd.s32 s2, s3  }
0x6: {  	s31 =	simm.s32 $0x1;
	_ =	strace $0x80000047;
	s8 =	sadd.s32 $0xC00, s7  }
0x7: {  	[tilespmem:s6], [sflag:$0x1] =	stream.linear.gather [hbm4b:s8+s6], $0x2710, $0x38;
	[tilespmem:$0x14480] =	vst v63  }
0x8: {  	_ =	swait.ge [sflag:s31], $0x2710  }
0x9: {  	[sflag:s31] =	ssyncset.done $0x0  }
0xa: {  	s9 =	simm.s32 $0x2780;
	s7 =	sadd.s32 $0x5C00, s7;
	[sflag:s31] =	ssyncadd.s32 $0xFFFFD8F0  }
0xb: {  	[tilespmem:s9], [sflag:$0x1] =	stream.linear.gather [hbm4b:s7+s6], $0x2710, $0x38;
	[tilespmem:$0x14480] =	vst v63  }
0xc: {  	_ =	swait.ge [sflag:s31], $0x2710  }
0xd: {  	s3 =	sadd.s32 $0xAC00, s3;
	[sflag:s31] =	ssyncset.done $0x0  }
0xe: {  	v0 =	vimm.f32 $-1.000000020e+30;
	v1 =	vimm.f32 $0.0e+00;
	s6 =	simm.s32 $0x40;
	s7 =	simm.s32 $0x0;
	[sflag:s31] =	ssyncadd.s32 $0xFFFFD8F0  }
.LBB2_1:
0xf: {  	p0 =	sne.s32 s6, $0x9FC0;
	[tilespmem:s7+$0x7680] =	vst v0;
	s8 =	smov.u32 s6;
	s6 =	sadd.s32 $0x40, s6  }
.Ltmp0:
0x10: {  	[tilespmem:s7+$0x9E80] =	vst v1;
	(pc) =	sbr.rel @p0 .LBB2_1-.Ltmp0, $2  }
0x11: {  	_ =	sdelay $0x2  }
0x12: {  	s7 =	sshra.s32 s8, $0x2  }
0x13: {  	[tilespmem:s7+$0x7680] =	vst v0  }
0x14: {  	[tilespmem:s7+$0x9E80] =	vst v1;
	v0 =	vimm.s32 $0xFFFFFFFF  }
0x15: {  	[tilespmem:$0x11980] =	vst v0;
	v0 =	vimm.s32 $0xFFFFFFFE  }
0x16: {  	[tilespmem:$0x119A0] =	vst v0;
	v0 =	vimm.f32 $-1.000000020e+30  }
0x17: {  	s6 =	simm.s32 $0x0;
	[tilespmem:$0x11900] =	vst v0  }
0x18: {  	v1 =	vld [tilespmem:s6+$0x0]  }
0x19: {  	v0 =	vld [tilespmem:s6+$0x2780];
	_ =	sdelay $0x3  }
0x1a: {  	[tilespmem:$0x11910] =	vst v1  }
0x1b: {  	[tilespmem:$0x11990] =	vst v0;
	v2 =	vld [tilespmem:$0x1190F]  }
0x1c: {  	v3 =	vld [tilespmem:$0x1198F];
	_ =	sdelay $0x4  }
0x1d: {  	v2 =	vmax.f32 v1, v2;
	vm0 =	veq.s32 v0, v3  }
0x1e: {  	v1 =	vsel vm0, v2, v1  }
0x1f: {  	v2 =	vld [tilespmem:$0x1198E];
	[tilespmem:$0x11910] =	vst v1  }
0x20: {  	v3 =	vld [tilespmem:$0x1190E];
	_ =	sdelay $0x4  }
0x21: {  	vm0 =	veq.s32 v0, v2;
	v2 =	vmax.f32 v1, v3  }
0x22: {  	v1 =	vsel vm0, v2, v1  }
0x23: {  	v2 =	vld [tilespmem:$0x1198C];
	[tilespmem:$0x11910] =	vst v1  }
0x24: {  	v3 =	vld [tilespmem:$0x1190C];
	_ =	sdelay $0x4  }
0x25: {  	v4 =	vld [tilespmem:$0x11991];
	vm0 =	veq.s32 v0, v2;
	v2 =	vmax.f32 v1, v3  }
0x26: {  	v2 =	vsel vm0, v2, v1;
	v1 =	vld [tilespmem:$0x11988];
	_ =	sdelay $0x1  }
0x27: {  	[tilespmem:$0x11910] =	vst v2  }
0x28: {  	v3 =	vld [tilespmem:$0x11908]  }
0x29: {  	s7 =	simm.s32 $0x7680  }
0x2a: {  	vm0 =	vne.s32 v0, v4;
	vm1 =	veq.s32 v0, v1;
	v1 =	vld.idx.msk [tilespmem:v0+s7+$0x0], $0xffff;
	_ =	sdelay $0x2  }
0x2b: {  	v3 =	vmax.f32 v2, v3  }
0x2c: {  	s6 =	simm.s32 $0x40;
	v2 =	vsel vm1, v3, v2  }
.LBB2_3:
0x2d: {  	p0 =	sne.s32 s6, $0x9C00;
	v1 =	vmax.f32 v2, v1;
	s8 =	smov.u32 s6;
	s6 =	sadd.s32 $0x40, s6  }
0x2e: {  	s8 =	sshra.s32 s8, $0x2;
	[tilespmem:v0+s7+$0x0] =	vst.idx.msk vm0, v1  }
0x2f: {  	v1 =	vld [tilespmem:s8+$0x0]  }
0x30: {  	v0 =	vld [tilespmem:s8+$0x2780];
	_ =	sdelay $0x3  }
0x31: {  	[tilespmem:$0x11910] =	vst v1  }
0x32: {  	[tilespmem:$0x11990] =	vst v0;
	v2 =	vld [tilespmem:$0x1190F]  }
0x33: {  	v3 =	vld [tilespmem:$0x1198F];
	_ =	sdelay $0x3  }
0x34: {  	v2 =	vmax.f32 v1, v2  }
0x35: {  	vm0 =	veq.s32 v0, v3  }
0x36: {  	v1 =	vsel vm0, v2, v1  }
0x37: {  	[tilespmem:$0x11910] =	vst v1;
	v2 =	vld [tilespmem:$0x1198E]  }
0x38: {  	v3 =	vld [tilespmem:$0x1190E];
	_ =	sdelay $0x3  }
0x39: {  	vm0 =	veq.s32 v0, v2  }
0x3a: {  	v2 =	vmax.f32 v1, v3  }
0x3b: {  	v1 =	vsel vm0, v2, v1  }
0x3c: {  	[tilespmem:$0x11910] =	vst v1;
	v2 =	vld [tilespmem:$0x1198C]  }
0x3d: {  	v3 =	vld [tilespmem:$0x1190C];
	_ =	sdelay $0x3  }
0x3e: {  	vm0 =	veq.s32 v0, v2;
	v2 =	vld [tilespmem:$0x11991]  }
0x3f: {  	v3 =	vmax.f32 v1, v3  }
0x40: {  	v3 =	vsel vm0, v3, v1  }
0x41: {  	[tilespmem:$0x11910] =	vst v3;
	v4 =	vld [tilespmem:$0x11988]  }
0x42: {  	v5 =	vld [tilespmem:$0x11908]  }
0x43: {  	vm0 =	vne.s32 v0, v2;
	v1 =	vld.idx.msk [tilespmem:v0+s7+$0x0], $0xffff  }
.Ltmp1:
0x44: {  	(pc) =	sbr.rel @p0 .LBB2_3-.Ltmp1, $4  }
0x45: {  	_ = 	snop  }
0x46: {  	vm1 =	veq.s32 v0, v4  }
0x47: {  	v2 =	vmax.f32 v3, v5  }
0x48: {  	v2 =	vsel vm1, v2, v3  }
0x49: {  	s6 =	sshrl.u32 s0, $0x3  }
0x4a: {  	s6 =	smul.u32 $0x50000, s6;
	_ =	sdelay $0x1  }
0x4b: {  	s8 =	sshll.u32 s0, $0x7;
	s21 =	simm.s32 $0x80;
	s6 =	sshrl.u32 s6, $0x2  }
0x4c: {  	v1 =	vmax.f32 v2, v1;
	s22 =	simm.s32 $0x400;
	s8 =	sand.u32 $0x380, s8;
	s6 =	sadd.s32 s6, s5  }
0x4d: {  	s9 =	simm.s32 $0x7680;
	s23 =	simm.s32 $0x1;
	[tilespmem:v0+s7+$0x0] =	vst.idx.msk vm0, v1;
	s6 =	sadd.s32 s8, s6  }
0x4e: {  	[spmem:s6] =	stream.strided.scatter [tilespmem:s9], [sflag:$0x1], $0x2800, s22, s21, $0x38;
	[tilespmem:$0x14480] =	vst v63  }
0x4f: {  	s24 =	smul.u32 $0x5000, s0;
	_ =	swait.ge [sflag:s23], $0x2800  }
0x50: {  	s25 =	simm.s32 $0x1400;
	[sflag:s23] =	ssyncset.done $0x0  }
0x51: {  	s26 =	simm.s32 $0x14000;
	s7 =	sshrl.u32 s24, $0x2;
	[sflag:s23] =	ssyncadd.s32 $0xFFFFD800  }
0x52: {  	s10 =	simm.s32 $0xEE80;
	s7 =	sadd.s32 s7, s5;
	[bflag:$0x0] =	sbarrier.arrive $0xFFFF  }
0x53: {  	[tilespmem:s10], [sflag:$0x1] =	stream.strided.gather [spmem:s7], $0x2800, s26, s25, $0x38;
	[tilespmem:$0x14480] =	vst v63  }
0x54: {  	s28 =	simm.s32 $0x0;
	_ =	swait.ge [sflag:s23], $0x2800  }
0x55: {  	s29 =	sand.u32 $0x70, s28;
	s5 =	sand.u32 $0x1C00, s28;
	[sflag:s23] =	ssyncset.done $0x0  }
0x56: {  	s5 =	sor.u32 s29, s5;
	[sflag:s23] =	ssyncadd.s32 $0xFFFFD800  }
0x57: {  	v51 =	vld [tilespmem:s5+$0xEF00]  }
0x58: {  	v52 =	vld [tilespmem:s5+$0xEE80]  }
0x59: {  	v53 =	vld [tilespmem:s5+$0xEF80]  }
0x5a: {  	v3 =	vld [tilespmem:s5+$0xF000]  }
0x5b: {  	v4 =	vld [tilespmem:s5+$0xF080]  }
0x5c: {  	v5 =	vld [tilespmem:s5+$0xF100]  }
0x5d: {  	v54 =	vld [tilespmem:s5+$0xF180];
	v0 =	vmax.f32 v52, v51  }
0x5e: {  	v55 =	vld [tilespmem:s5+$0xF200];
	v0 =	vmax.f32 v0, v53  }
0x5f: {  	v56 =	vld [tilespmem:s5+$0x10280];
	v0 =	vmax.f32 v0, v3  }
0x60: {  	v57 =	vld [tilespmem:s5+$0x10300];
	v0 =	vmax.f32 v0, v4  }
0x61: {  	v58 =	vld [tilespmem:s5+$0x10380];
	v0 =	vmax.f32 v0, v5  }
0x62: {  	v59 =	vld [tilespmem:s5+$0x10400];
	v0 =	vmax.f32 v0, v54  }
0x63: {  	v60 =	vld [tilespmem:s5+$0x10480];
	v0 =	vmax.f32 v0, v55  }
0x64: {  	v61 =	vld [tilespmem:s5+$0x10500];
	v0 =	vmax.f32 v0, v56  }
0x65: {  	v62 =	vld [tilespmem:s5+$0x10580];
	v0 =	vmax.f32 v0, v57  }
0x66: {  	v63 =	vld [tilespmem:s5+$0x10600];
	v0 =	vmax.f32 v0, v58  }
0x67: {  	v0 =	vmax.f32 v0, v59  }
0x68: {  	v0 =	vmax.f32 v0, v60  }
0x69: {  	v0 =	vmax.f32 v0, v61  }
0x6a: {  	s30 =	simm.s32 $0x10;
	s9 =	simm.s32 $0x80;
	v0 =	vmax.f32 v0, v62  }
0x6b: {  	s8 =	sand.u32 $0x70, s30;
	s31 =	sand.u32 $0x1C00, s9;
	s5 =	simm.s32 $0x11680;
	v0 =	vmax.f32 v0, v63  }
0x6c: {  	s8 =	sor.u32 s8, s31;
	s10 =	simm.s32 $0x20;
	[tilespmem:s5+$0x0] =	vst v0  }
.LBB2_5:
0x6d: {  	p0 =	sne.s32 s10, $0x270;
	v0 =	vld [tilespmem:s8+$0xEF00]  }
0x6e: {  	v1 =	vld [tilespmem:s8+$0xEE80]  }
0x6f: {  	v2 =	vld [tilespmem:s8+$0xEF80]  }
0x70: {  	v3 =	vld [tilespmem:s8+$0xF000]  }
0x71: {  	v4 =	vld [tilespmem:s8+$0xF080]  }
0x72: {  	v5 =	vld [tilespmem:s8+$0xF100]  }
0x73: {  	v0 =	vmax.f32 v1, v0;
	v1 =	vld [tilespmem:s8+$0xF180]  }
0x74: {  	v0 =	vmax.f32 v0, v2;
	v2 =	vld [tilespmem:s8+$0xF200]  }
0x75: {  	v0 =	vmax.f32 v0, v3;
	v3 =	vld [tilespmem:s8+$0x10280]  }
0x76: {  	v0 =	vmax.f32 v0, v4;
	v4 =	vld [tilespmem:s8+$0x10300]  }
0x77: {  	v0 =	vmax.f32 v0, v5;
	v5 =	vld [tilespmem:s8+$0x10380]  }
0x78: {  	v0 =	vmax.f32 v0, v1;
	v1 =	vld [tilespmem:s8+$0x10400]  }
0x79: {  	v0 =	vmax.f32 v0, v2;
	v2 =	vld [tilespmem:s8+$0x10480]  }
0x7a: {  	v0 =	vmax.f32 v0, v3;
	v3 =	vld [tilespmem:s8+$0x10500]  }
0x7b: {  	v0 =	vmax.f32 v0, v4;
	v4 =	vld [tilespmem:s8+$0x10580]  }
0x7c: {  	v0 =	vmax.f32 v0, v5;
	v5 =	vld [tilespmem:s8+$0x10600]  }
0x7d: {  	v0 =	vmax.f32 v0, v1  }
.Ltmp2:
0x7e: {  	v0 =	vmax.f32 v0, v2;
	(pc) =	sbr.rel @p0 .LBB2_5-.Ltmp2, $4  }
0x7f: {  	v0 =	vmax.f32 v0, v3  }
0x80: {  	s9 =	sadd.s32 $0x80, s9;
	v0 =	vmax.f32 v0, v4  }
0x81: {  	s5 =	sadd.s32 $0x10, s5;
	s11 =	sand.u32 $0x1C00, s9;
	s8 =	sand.u32 $0x70, s10;
	v0 =	vmax.f32 v0, v5  }
0x82: {  	s10 =	sadd.s32 $0x10, s10;
	s8 =	sor.u32 s8, s11;
	[tilespmem:s5+$0x0] =	vst v0  }
0x83: {  	v0 =	vld [tilespmem:s8+$0xEF00]  }
0x84: {  	v1 =	vld [tilespmem:s8+$0xEE80]  }
0x85: {  	v2 =	vld [tilespmem:s8+$0xEF80]  }
0x86: {  	v3 =	vld [tilespmem:s8+$0xF000]  }
0x87: {  	v4 =	vld [tilespmem:s8+$0xF080]  }
0x88: {  	v5 =	vld [tilespmem:s8+$0xF100]  }
0x89: {  	v0 =	vmax.f32 v1, v0;
	v1 =	vld [tilespmem:s8+$0xF180]  }
0x8a: {  	v0 =	vmax.f32 v0, v2;
	v2 =	vld [tilespmem:s8+$0xF200]  }
0x8b: {  	v0 =	vmax.f32 v0, v3;
	v3 =	vld [tilespmem:s8+$0x10280]  }
0x8c: {  	v58 =	vld [tilespmem:s8+$0x10300];
	v0 =	vmax.f32 v0, v4  }
0x8d: {  	v59 =	vld [tilespmem:s8+$0x10380];
	v0 =	vmax.f32 v0, v5  }
0x8e: {  	v0 =	vmax.f32 v0, v1;
	v1 =	vld [tilespmem:s8+$0x10400]  }
0x8f: {  	v0 =	vmax.f32 v0, v2;
	v2 =	vld [tilespmem:s8+$0x10480]  }
0x90: {  	v0 =	vmax.f32 v0, v3;
	v3 =	vld [tilespmem:s8+$0x10500]  }
0x91: {  	v60 =	vld [tilespmem:s8+$0x10580];
	v0 =	vmax.f32 v0, v58  }
0x92: {  	v61 =	vld [tilespmem:s8+$0x10600];
	v0 =	vmax.f32 v0, v59  }
0x93: {  	v0 =	vmax.f32 v0, v1  }
0x94: {  	v0 =	vmax.f32 v0, v2  }
0x95: {  	s29 =	smul.u32 $0xA00, s0;
	v0 =	vmax.f32 v0, v3  }
0x96: {  	v0 =	vmax.f32 v0, v60  }
0x97: {  	s5 =	sadd.s32 $0x10, s5;
	s8 =	sshrl.u32 s29, $0x2;
	v0 =	vmax.f32 v0, v61  }
0x98: {  	s30 =	simm.s32 $0x11680;
	s9 =	simm.s32 $0x1;
	[tilespmem:s5+$0x0] =	vst v0;
	s5 =	sadd.s32 s8, s4  }
0x99: {  	[spmem:s5] =	stream.linear.scatter [tilespmem:s30], [sflag:$0x1], $0x280, $0x38;
	[tilespmem:$0x14480] =	vst v63  }
0x9a: {  	_ =	swait.ge [sflag:s9], $0x280  }
0x9b: {  	[sflag:s9] =	ssyncset.done $0x0  }
0x9c: {  	[sflag:s9] =	ssyncadd.s32 $0xFFFFFD80  }
0x9d: {  	s8 =	simm.s32 $0xC680;
	[bflag:$0x0] =	sbarrier.arrive $0xFFFF  }
0x9e: {  	[tilespmem:s8], [sflag:$0x1] =	stream.linear.gather [spmem:s4], $0x2800, $0x38;
	[tilespmem:$0x14480] =	vst v63  }
0x9f: {  	_ =	swait.ge [sflag:s9], $0x2800  }
0xa0: {  	[sflag:s9] =	ssyncset.done $0x0  }
0xa1: {  	v0 =	vimm.f32 $0.0e+00;
	[sflag:s9] =	ssyncadd.s32 $0xFFFFD800  }
0xa2: {  	s31 =	simm.s32 $0x0;
	[tilespmem:$0x11900] =	vst v0  }
0xa3: {  	v0 =	vld [tilespmem:s31+$0x2780];
	_ =	sdelay $0x6  }
0xa4: {  	v2 =	vld [tilespmem:s31+$0x0]  }
0xa5: {  	v1 =	vld.idx.msk [tilespmem:v0+s8+$0x0], $0xffff;
	_ =	sdelay $0x4  }
0xa6: {  	v1 =	vsub.f32 v2, v1;
	_ =	sdelay $0x1  }
0xa7: {  	v1 =	vmul.f32 $1.442695020e+00, v1;
	_ =	sdelay $0x1  }
0xa8: {  	(erf) = vpow2.f32 v1;
	_ =	sdelay $0x8  }
0xa9: {  	v1 =	vpop (erf)  }
0xaa: {  	[tilespmem:s31+$0x4F00] =	vst v1  }
0xab: {  	[tilespmem:$0x11910] =	vst v1  }
0xac: {  	[tilespmem:$0x11990] =	vst v0;
	v2 =	vld [tilespmem:$0x1190F]  }
0xad: {  	v3 =	vld [tilespmem:$0x1198F];
	_ =	sdelay $0x3  }
0xae: {  	v2 =	vadd.f32 v2, v1  }
0xaf: {  	vm0 =	veq.s32 v0, v3  }
0xb0: {  	v1 =	vsel vm0, v2, v1  }
0xb1: {  	[tilespmem:$0x11910] =	vst v1  }
0xb2: {  	v2 =	vld [tilespmem:$0x1190E]  }
0xb3: {  	v3 =	vld [tilespmem:$0x1198E];
	_ =	sdelay $0x3  }
0xb4: {  	v2 =	vadd.f32 v2, v1  }
0xb5: {  	vm0 =	veq.s32 v0, v3  }
0xb6: {  	v1 =	vsel vm0, v2, v1  }
0xb7: {  	[tilespmem:$0x11910] =	vst v1  }
0xb8: {  	v2 =	vld [tilespmem:$0x1190C]  }
0xb9: {  	v3 =	vld [tilespmem:$0x1198C];
	_ =	sdelay $0x3  }
0xba: {  	v2 =	vadd.f32 v2, v1  }
0xbb: {  	vm0 =	veq.s32 v0, v3  }
0xbc: {  	v1 =	vsel vm0, v2, v1  }
0xbd: {  	[tilespmem:$0x11910] =	vst v1  }
0xbe: {  	v2 =	vld [tilespmem:$0x11908]  }
0xbf: {  	v3 =	vld [tilespmem:$0x11988]  }
0xc0: {  	v62 =	vld [tilespmem:$0x11991];
	_ =	sdelay $0x2  }
0xc1: {  	s9 =	simm.s32 $0x9E80;
	v2 =	vadd.f32 v2, v1  }
0xc2: {  	vm0 =	veq.s32 v0, v3;
	v63 =	vld.idx.msk [tilespmem:v0+s9+$0x0], $0xffff  }
0xc3: {  	v1 =	vsel vm0, v2, v1;
	vm0 =	vne.s32 v0, v62;
	_ =	sdelay $0x3  }
0xc4: {  	s10 =	simm.s32 $0x40;
	s11 =	simm.s32 $0x80;
	v1 =	vadd.f32 v63, v1  }
.LBB2_7:
0xc5: {  	p0 =	sne.s32 s11, $0x9C00  }
0xc6: {  	s12 =	sshra.s32 s10, $0x2;
	s10 =	smov.u32 s11;
	s11 =	sadd.s32 $0x40, s11;
	[tilespmem:v0+s9+$0x0] =	vst.idx.msk vm0, v1  }
0xc7: {  	v0 =	vld [tilespmem:s12+$0x2780];
	_ =	sdelay $0x7  }
0xc8: {  	v1 =	vld.idx.msk [tilespmem:v0+s8+$0x0], $0xffff  }
0xc9: {  	v2 =	vld [tilespmem:s12+$0x0];
	_ =	sdelay $0x4  }
0xca: {  	v1 =	vsub.f32 v2, v1;
	_ =	sdelay $0x1  }
0xcb: {  	v1 =	vmul.f32 $1.442695020e+00, v1;
	_ =	sdelay $0x1  }
0xcc: {  	(erf) = vpow2.f32 v1;
	_ =	sdelay $0x8  }
0xcd: {  	v1 =	vpop (erf)  }
0xce: {  	[tilespmem:s12+$0x4F00] =	vst v1  }
0xcf: {  	[tilespmem:$0x11910] =	vst v1  }
0xd0: {  	[tilespmem:$0x11990] =	vst v0;
	v2 =	vld [tilespmem:$0x1190F]  }
0xd1: {  	v3 =	vld [tilespmem:$0x1198F]  }
0xd2: {  	v4 =	vld [tilespmem:$0x1198E]  }
0xd3: {  	v5 =	vld [tilespmem:$0x1198C]  }
0xd4: {  	v6 =	vld [tilespmem:$0x11991]  }
0xd5: {  	v2 =	vadd.f32 v2, v1;
	v7 =	vld [tilespmem:$0x11988]  }
0xd6: {  	vm0 =	veq.s32 v0, v3  }
0xd7: {  	v1 =	vsel vm0, v2, v1;
	vm2 =	veq.s32 v0, v4  }
0xd8: {  	[tilespmem:$0x11910] =	vst v1;
	vm3 =	veq.s32 v0, v5  }
0xd9: {  	v2 =	vld [tilespmem:$0x1190E];
	vm0 =	vne.s32 v0, v6  }
0xda: {  	vm1 =	veq.s32 v0, v7;
	_ =	sdelay $0x3  }
0xdb: {  	v2 =	vadd.f32 v2, v1;
	_ =	sdelay $0x1  }
0xdc: {  	v1 =	vsel vm2, v2, v1  }
0xdd: {  	[tilespmem:$0x11910] =	vst v1  }
0xde: {  	v2 =	vld [tilespmem:$0x1190C];
	_ =	sdelay $0x4  }
0xdf: {  	v2 =	vadd.f32 v2, v1;
	_ =	sdelay $0x1  }
0xe0: {  	v1 =	vsel vm3, v2, v1  }
0xe1: {  	[tilespmem:$0x11910] =	vst v1  }
0xe2: {  	v2 =	vld [tilespmem:$0x11908]  }
0xe3: {  	v3 =	vld.idx.msk [tilespmem:v0+s9+$0x0], $0xffff;
	_ =	sdelay $0x2  }
.Ltmp3:
0xe4: {  	(pc) =	sbr.rel @p0 .LBB2_7-.Ltmp3, $3  }
0xe5: {  	v2 =	vadd.f32 v2, v1;
	_ =	sdelay $0x1  }
0xe6: {  	v1 =	vsel vm1, v2, v1  }
0xe7: {  	v1 =	vadd.f32 v3, v1  }
0xe8: {  	_ =	sdelay $0x4  }
0xe9: {  	s10 =	sshra.s32 s10, $0x2;
	[tilespmem:v0+s9+$0x0] =	vst.idx.msk vm0, v1  }
0xea: {  	v0 =	vld [tilespmem:s10+$0x2780];
	_ =	sdelay $0x6  }
0xeb: {  	v2 =	vld [tilespmem:s10+$0x0]  }
0xec: {  	v1 =	vld.idx.msk [tilespmem:v0+s8+$0x0], $0xffff;
	_ =	sdelay $0x4  }
0xed: {  	v1 =	vsub.f32 v2, v1;
	_ =	sdelay $0x1  }
0xee: {  	v1 =	vmul.f32 $1.442695020e+00, v1;
	_ =	sdelay $0x1  }
0xef: {  	(erf) = vpow2.f32 v1;
	_ =	sdelay $0x8  }
0xf0: {  	v1 =	vpop (erf)  }
0xf1: {  	[tilespmem:s10+$0x4F00] =	vst v1  }
0xf2: {  	[tilespmem:$0x11910] =	vst v1  }
0xf3: {  	[tilespmem:$0x11990] =	vst v0;
	v40 =	vld [tilespmem:$0x1190F]  }
0xf4: {  	v3 =	vld [tilespmem:$0x1198F];
	_ =	sdelay $0x3  }
0xf5: {  	v2 =	vadd.f32 v40, v1  }
0xf6: {  	vm12 =	veq.s32 v0, v3  }
0xf7: {  	v1 =	vsel vm12, v2, v1  }
0xf8: {  	[tilespmem:$0x11910] =	vst v1  }
0xf9: {  	v41 =	vld [tilespmem:$0x1190E]  }
0xfa: {  	v42 =	vld [tilespmem:$0x1198E];
	_ =	sdelay $0x3  }
0xfb: {  	v2 =	vadd.f32 v41, v1  }
0xfc: {  	vm13 =	veq.s32 v0, v42  }
0xfd: {  	v1 =	vsel vm13, v2, v1  }
0xfe: {  	[tilespmem:$0x11910] =	vst v1  }
0xff: {  	v43 =	vld [tilespmem:$0x1190C]  }
0x100: {  	v44 =	vld [tilespmem:$0x1198C];
	_ =	sdelay $0x3  }
0x101: {  	v2 =	vadd.f32 v43, v1  }
0x102: {  	vm14 =	veq.s32 v0, v44  }
0x103: {  	v1 =	vsel vm14, v2, v1  }
0x104: {  	v45 =	vld [tilespmem:$0x11991];
	[tilespmem:$0x11910] =	vst v1  }
0x105: {  	v46 =	vld [tilespmem:$0x11908]  }
0x106: {  	v4 =	vld [tilespmem:$0x11988];
	_ =	sdelay $0x1  }
0x107: {  	v5 =	vld.idx.msk [tilespmem:v0+s9+$0x0], $0xffff  }
0x108: {  	vm15 =	vne.s32 v0, v45  }
0x109: {  	v47 =	vadd.f32 v46, v1  }
0x10a: {  	vm1 =	veq.s32 v0, v4  }
0x10b: {  	v1 =	vsel vm1, v47, v1  }
0x10c: {  	v1 =	vadd.f32 v5, v1  }
0x10d: {  	s19 =	simm.s32 $0x80  }
0x10e: {  	s20 =	simm.s32 $0x400;
	s21 =	simm.s32 $0x9E80;
	s22 =	simm.s32 $0x1;
	[tilespmem:v0+s9+$0x0] =	vst.idx.msk vm15, v1  }
0x10f: {  	[spmem:s6] =	stream.strided.scatter [tilespmem:s21], [sflag:$0x1], $0x2800, s20, s19, $0x38;
	[tilespmem:$0x14480] =	vst v63  }
0x110: {  	_ =	swait.ge [sflag:s22], $0x2800  }
0x111: {  	[sflag:s22] =	ssyncset.done $0x0  }
0x112: {  	s23 =	simm.s32 $0x1400;
	[sflag:s22] =	ssyncadd.s32 $0xFFFFD800  }
0x113: {  	s24 =	simm.s32 $0x14000;
	s25 =	simm.s32 $0xEE80;
	[bflag:$0x0] =	sbarrier.arrive $0xFFFF  }
0x114: {  	[tilespmem:s25], [sflag:$0x1] =	stream.strided.gather [spmem:s7], $0x2800, s24, s23, $0x38;
	[tilespmem:$0x14480] =	vst v63  }
0x115: {  	s26 =	simm.s32 $0x0;
	_ =	swait.ge [sflag:s22], $0x2800  }
0x116: {  	s28 =	sand.u32 $0x70, s26;
	s7 =	sand.u32 $0x1C00, s26;
	[sflag:s22] =	ssyncset.done $0x0  }
0x117: {  	s29 =	sor.u32 s28, s7;
	[sflag:s22] =	ssyncadd.s32 $0xFFFFD800  }
0x118: {  	v48 =	vld [tilespmem:s29+$0xEF00]  }
0x119: {  	v49 =	vld [tilespmem:s29+$0xEE80];
	_ =	sdelay $0x1  }
0x11a: {  	v50 =	vld [tilespmem:s29+$0xEF80];
	_ =	sdelay $0x1  }
0x11b: {  	v51 =	vld [tilespmem:s29+$0xF000]  }
0x11c: {  	v0 =	vadd.f32 v48, v49  }
0x11d: {  	v52 =	vld [tilespmem:s29+$0xF080]  }
0x11e: {  	v0 =	vadd.f32 v50, v0  }
0x11f: {  	v53 =	vld [tilespmem:s29+$0xF100]  }
0x120: {  	v0 =	vadd.f32 v51, v0  }
0x121: {  	v54 =	vld [tilespmem:s29+$0xF180]  }
0x122: {  	v0 =	vadd.f32 v52, v0  }
0x123: {  	v55 =	vld [tilespmem:s29+$0xF200]  }
0x124: {  	v0 =	vadd.f32 v53, v0  }
0x125: {  	v56 =	vld [tilespmem:s29+$0x10280]  }
0x126: {  	v0 =	vadd.f32 v54, v0  }
0x127: {  	v57 =	vld [tilespmem:s29+$0x10300]  }
0x128: {  	v0 =	vadd.f32 v55, v0  }
0x129: {  	v58 =	vld [tilespmem:s29+$0x10380]  }
0x12a: {  	v0 =	vadd.f32 v56, v0  }
0x12b: {  	v59 =	vld [tilespmem:s29+$0x10400]  }
0x12c: {  	v0 =	vadd.f32 v57, v0  }
0x12d: {  	v60 =	vld [tilespmem:s29+$0x10480]  }
0x12e: {  	v0 =	vadd.f32 v58, v0  }
0x12f: {  	v61 =	vld [tilespmem:s29+$0x10500]  }
0x130: {  	v0 =	vadd.f32 v59, v0  }
0x131: {  	v62 =	vld [tilespmem:s29+$0x10580]  }
0x132: {  	v0 =	vadd.f32 v60, v0  }
0x133: {  	v63 =	vld [tilespmem:s29+$0x10600]  }
0x134: {  	v0 =	vadd.f32 v61, v0;
	_ =	sdelay $0x1  }
0x135: {  	v0 =	vadd.f32 v62, v0;
	_ =	sdelay $0x1  }
0x136: {  	s30 =	simm.s32 $0x10;
	s8 =	simm.s32 $0x80;
	v0 =	vadd.f32 v63, v0  }
0x137: {  	s31 =	sand.u32 $0x1C00, s8;
	s6 =	simm.s32 $0x11680;
	s7 =	sand.u32 $0x70, s30  }
0x138: {  	s9 =	simm.s32 $0x20;
	s7 =	sor.u32 s7, s31;
	[tilespmem:s6+$0x0] =	vst v0  }
.LBB2_9:
0x139: {  	p0 =	sne.s32 s9, $0x270;
	v0 =	vld [tilespmem:s7+$0xEF00]  }
0x13a: {  	v1 =	vld [tilespmem:s7+$0xEE80];
	_ =	sdelay $0x1  }
0x13b: {  	v2 =	vld [tilespmem:s7+$0xEF80];
	_ =	sdelay $0x1  }
0x13c: {  	v3 =	vld [tilespmem:s7+$0xF000]  }
0x13d: {  	v0 =	vadd.f32 v0, v1  }
0x13e: {  	v1 =	vld [tilespmem:s7+$0xF080]  }
0x13f: {  	v0 =	vadd.f32 v2, v0  }
0x140: {  	v2 =	vld [tilespmem:s7+$0xF100]  }
0x141: {  	v0 =	vadd.f32 v3, v0  }
0x142: {  	v3 =	vld [tilespmem:s7+$0xF180]  }
0x143: {  	v0 =	vadd.f32 v1, v0  }
0x144: {  	v1 =	vld [tilespmem:s7+$0xF200]  }
0x145: {  	v0 =	vadd.f32 v2, v0  }
0x146: {  	v2 =	vld [tilespmem:s7+$0x10280]  }
0x147: {  	v0 =	vadd.f32 v3, v0  }
0x148: {  	v3 =	vld [tilespmem:s7+$0x10300]  }
0x149: {  	v0 =	vadd.f32 v1, v0  }
0x14a: {  	v1 =	vld [tilespmem:s7+$0x10380]  }
0x14b: {  	v0 =	vadd.f32 v2, v0  }
0x14c: {  	v2 =	vld [tilespmem:s7+$0x10400]  }
0x14d: {  	v0 =	vadd.f32 v3, v0  }
0x14e: {  	v3 =	vld [tilespmem:s7+$0x10480]  }
0x14f: {  	v0 =	vadd.f32 v1, v0  }
0x150: {  	v1 =	vld [tilespmem:s7+$0x10500]  }
0x151: {  	v0 =	vadd.f32 v2, v0  }
0x152: {  	v2 =	vld [tilespmem:s7+$0x10580]  }
0x153: {  	v0 =	vadd.f32 v3, v0  }
0x154: {  	v3 =	vld [tilespmem:s7+$0x10600]  }
0x155: {  	v0 =	vadd.f32 v1, v0;
	_ =	sdelay $0x1  }
.Ltmp4:
0x156: {  	v0 =	vadd.f32 v2, v0;
	(pc) =	sbr.rel @p0 .LBB2_9-.Ltmp4, $4  }
0x157: {  	_ = 	snop  }
0x158: {  	s8 =	sadd.s32 $0x80, s8;
	v0 =	vadd.f32 v3, v0  }
0x159: {  	s6 =	sadd.s32 $0x10, s6;
	s10 =	sand.u32 $0x1C00, s8;
	s7 =	sand.u32 $0x70, s9  }
0x15a: {  	s9 =	sadd.s32 $0x10, s9;
	s7 =	sor.u32 s7, s10;
	[tilespmem:s6+$0x0] =	vst v0  }
0x15b: {  	v0 =	vld [tilespmem:s7+$0xEF00]  }
0x15c: {  	v1 =	vld [tilespmem:s7+$0xEE80];
	_ =	sdelay $0x1  }
0x15d: {  	v2 =	vld [tilespmem:s7+$0xEF80];
	_ =	sdelay $0x1  }
0x15e: {  	v3 =	vld [tilespmem:s7+$0xF000]  }
0x15f: {  	v0 =	vadd.f32 v0, v1  }
0x160: {  	v1 =	vld [tilespmem:s7+$0xF080]  }
0x161: {  	v0 =	vadd.f32 v2, v0  }
0x162: {  	v2 =	vld [tilespmem:s7+$0xF100]  }
0x163: {  	v0 =	vadd.f32 v3, v0  }
0x164: {  	v3 =	vld [tilespmem:s7+$0xF180]  }
0x165: {  	v0 =	vadd.f32 v1, v0  }
0x166: {  	v1 =	vld [tilespmem:s7+$0xF200]  }
0x167: {  	v0 =	vadd.f32 v2, v0  }
0x168: {  	v2 =	vld [tilespmem:s7+$0x10280]  }
0x169: {  	v0 =	vadd.f32 v3, v0  }
0x16a: {  	v3 =	vld [tilespmem:s7+$0x10300]  }
0x16b: {  	v0 =	vadd.f32 v1, v0  }
0x16c: {  	v1 =	vld [tilespmem:s7+$0x10380]  }
0x16d: {  	v0 =	vadd.f32 v2, v0  }
0x16e: {  	v2 =	vld [tilespmem:s7+$0x10400]  }
0x16f: {  	v0 =	vadd.f32 v3, v0  }
0x170: {  	v3 =	vld [tilespmem:s7+$0x10480]  }
0x171: {  	v0 =	vadd.f32 v1, v0  }
0x172: {  	v1 =	vld [tilespmem:s7+$0x10500]  }
0x173: {  	v0 =	vadd.f32 v2, v0  }
0x174: {  	v2 =	vld [tilespmem:s7+$0x10580]  }
0x175: {  	v0 =	vadd.f32 v3, v0  }
0x176: {  	v3 =	vld [tilespmem:s7+$0x10600]  }
0x177: {  	v0 =	vadd.f32 v1, v0;
	_ =	sdelay $0x1  }
0x178: {  	v0 =	vadd.f32 v2, v0;
	_ =	sdelay $0x1  }
0x179: {  	v0 =	vadd.f32 v3, v0  }
0x17a: {  	s6 =	sadd.s32 $0x10, s6  }
0x17b: {  	s30 =	simm.s32 $0x11680;
	s31 =	simm.s32 $0x1;
	[tilespmem:s6+$0x0] =	vst v0  }
0x17c: {  	[spmem:s5] =	stream.linear.scatter [tilespmem:s30], [sflag:$0x1], $0x280, $0x38;
	[tilespmem:$0x14480] =	vst v63  }
0x17d: {  	_ =	swait.ge [sflag:s31], $0x280  }
0x17e: {  	[sflag:s31] =	ssyncset.done $0x0  }
0x17f: {  	[sflag:s31] =	ssyncadd.s32 $0xFFFFFD80  }
0x180: {  	s5 =	simm.s32 $0xC680;
	[bflag:$0x0] =	sbarrier.arrive $0xFFFF  }
0x181: {  	[tilespmem:s5], [sflag:$0x1] =	stream.linear.gather [spmem:s4], $0x2800, $0x38;
	[tilespmem:$0x14480] =	vst v63  }
0x182: {  	_ =	swait.ge [sflag:s31], $0x2800  }
0x183: {  	[sflag:s31] =	ssyncset.done $0x0  }
0x184: {  	s4 =	simm.s32 $0x0;
	[sflag:s31] =	ssyncadd.s32 $0xFFFFD800  }
0x185: {  	v0 =	vld [tilespmem:s4+$0x2780];
	_ =	sdelay $0x7  }
0x186: {  	v0 =	vld.idx.msk [tilespmem:v0+s5+$0x0], $0xffff;
	_ =	sdelay $0x4  }
0x187: {  	v0 =	vadd.f32 $1.000000020e-16, v0;
	_ =	sdelay $0x1  }
0x188: {  	(erf) = vrcp.f32 v0;
	_ =	sdelay $0x2  }
0x189: {  	s7 =	simm.s32 $0x10  }
0x18a: {  	s6 =	simm.s32 $0x80;
	v0 =	vld [tilespmem:s7+$0x2780]  }
.LBB2_11:
0x18b: {  	p0 =	sne.s32 s6, $0x9C00;
	v1 =	vld [tilespmem:s4+$0x4F00];
	_ =	sdelay $0x3  }
0x18c: {  	v2 =	vpop (erf)  }
0x18d: {  	v1 =	vmul.f32 v2, v1;
	_ =	sdelay $0x1  }
0x18e: {  	[tilespmem:s4+$0x4F00] =	vst v1;
	s4 =	smov.u32 s7  }
0x18f: {  	v0 =	vld.idx.msk [tilespmem:v0+s5+$0x0], $0xffff;
	_ =	sdelay $0x5  }
0x190: {  	v0 =	vadd.f32 $1.000000020e-16, v0;
	_ =	sdelay $0x1  }
.Ltmp5:
0x191: {  	(erf) = vrcp.f32 v0;
	(pc) =	sbr.rel @p0 .LBB2_11-.Ltmp5, $3  }
0x192: {  	_ =	sdelay $0x1  }
0x193: {  	s7 =	sshra.s32 s6, $0x2  }
0x194: {  	s6 =	sadd.s32 $0x40, s6;
	v0 =	vld [tilespmem:s7+$0x2780]  }
0x195: {  	v1 =	vld [tilespmem:s4+$0x4F00];
	_ =	sdelay $0x3  }
0x196: {  	v2 =	vpop (erf)  }
0x197: {  	v1 =	vmul.f32 v2, v1;
	_ =	sdelay $0x1  }
0x198: {  	[tilespmem:s4+$0x4F00] =	vst v1  }
0x199: {  	v0 =	vld.idx.msk [tilespmem:v0+s5+$0x0], $0xffff;
	_ =	sdelay $0x4  }
0x19a: {  	v0 =	vadd.f32 $1.000000020e-16, v0;
	_ =	sdelay $0x1  }
0x19b: {  	(erf) = vrcp.f32 v0;
	_ =	sdelay $0x4  }
0x19c: {  	v62 =	vld [tilespmem:s7+$0x4F00];
	_ =	sdelay $0x3  }
0x19d: {  	v63 =	vpop (erf)  }
0x19e: {  	v0 =	vmul.f32 v63, v62  }
0x19f: {  	s2 =	sadd.s32 s3, s2  }
0x1a0: {  	s29 =	simm.s32 $0x0;
	s30 =	simm.s32 $0x4F00;
	s31 =	simm.s32 $0x1;
	[tilespmem:s7+$0x4F00] =	vst v0  }
0x1a1: {  	[hbm4b:s2+s29] =	stream.linear.scatter [tilespmem:s30], [sflag:$0x1], $0x2710, $0x38;
	[tilespmem:$0x14480] =	vst v63  }
0x1a2: {  	_ =	swait.ge [sflag:s31], $0x2710  }
0x1a3: {  	[sflag:s31] =	ssyncset.done $0x0  }
0x1a4: {  	[sflag:s31] =	ssyncadd.s32 $0xFFFFD8F0  }
0x1a5: {  	_ =	sfence.sel $0x180000  }
0x1a6: {  	[bflag:$0x0] =	sbarrier.arrive $0xFFFF  }
0x1a7: {  	p0 =	sne.s32 s0, $0x0;
	_ =	strace $0x90000047  }
0x1a8: {  	s0 =	sadd.s32 @!p0 $0x100000, s1;
	[bflag:$0x2] =	sbarrier.arrive $0xFFFF  }
0x1a9: {  	[sflag:s0] =	ssyncadd.tile.s32 @!p0 $0x1;
	_ =	shalt  }
.Lfunc_end2:
_tile_overlayer_lowered:
.L_overlay_start_2:
0x1aa: {  	(tag) =	ssettag $0x2  }
0x1ab: {  	s0 =	rddreg [dreg:$0x0];
	s2 =	stileid.u32  }
0x1ac: {  	s1 =	rddreg [dreg:$0x1];
	p0 =	sne.s32 s2, $0x0  }
0x1ad: {  	s3 =	rddreg [dreg:$0x2];
	[bflag:$0x3] =	sbarrier.arrive $0xFFFF;
	s2 =	simm.s32 @!p0 $0x1C01  }
0x1ae: {  	[timem:s3], [sflag:s2] =	dma.local @!p0 [hbm:s0], s1  }
0x1af: {  	s0 =	simm.s32 @!p0 $0x1  }
0x1b0: {  	_ =	swait.ge @!p0 [sflag:s0], s1  }
0x1b1: {  	s1 =	ssub.s32 @!p0 $0x0, s1;
	[sflag:s0] =	ssyncset.done @!p0 $0x0  }
0x1b2: {  	[sflag:s0] =	ssyncadd.s32 @!p0 s1  }
0x1b3: {  	[bflag:$0x3] =	sbarrier.arrive $0xFFFF  }
0x1b4: {  	_ =	shalt  }

</sc_bundles>
